<compile_context>
chip_gen: v7x
topology: tpu7x:2x2x1
jax: 0.10.2.dev20260603
libtpu: 0.0.44.dev20260713+nightly
codegen_flags: <defaults>
</compile_context>

<pallas_src>
import dataclasses

import jax
import jax.numpy as jnp
from jax import lax
from jax.experimental import pallas as pl
from jax.experimental.pallas import tpu as pltpu
from jax.experimental.pallas import tpu_sc as plsc

B = 8
N = 65536
M = 65536
E = 4194304

NC_CORES = 2
CH = 2048
CW = CH // 2
ET = E // 8
NCHUNK = ET // CH
QM = M // 4
ZW = 2048
NSLOT = 2
MSK16 = 0xFFFF
MSKHI = -65536


def _sc_kernel(x_hbm, sw_hbm, vw_hbm, dw_hbm, out_hbm, x_v, *rest):
    bufs = rest[:4 * NSLOT]
    zbuf = rest[4 * NSLOT]
    acc_sh = rest[4 * NSLOT + 1]
    sem_x = rest[4 * NSLOT + 2]
    in_sems = rest[4 * NSLOT + 3:4 * NSLOT + 3 + NSLOT]
    sc_sems = rest[4 * NSLOT + 3 + NSLOT:4 * NSLOT + 3 + 2 * NSLOT]
    slots = tuple(
        (bufs[4 * k], bufs[4 * k + 1], bufs[4 * k + 2], bufs[4 * k + 3],
         in_sems[k], sc_sems[k])
        for k in range(NSLOT))

    c = lax.axis_index("c")
    s = lax.axis_index("s")
    p = s // 4
    o = c * 4 + (s % 4)
    quarter = s % 4
    cbase = o * NCHUNK

    xcp = pltpu.async_copy(x_hbm.at[p], x_v, sem_x)

    @pl.loop(0, ZW, step=16)
    def _zero(i):
        zbuf[pl.ds(i, 16)] = jnp.zeros((16,), jnp.float32)

    for bb in (p, p + 4):
        for k in range(QM // ZW):
            pltpu.sync_copy(zbuf, acc_sh.at[bb, pl.ds(quarter * QM + k * ZW, ZW)])
    plsc.subcore_barrier()

    def start_inputs(g, slot):
        ebuf = slots[slot][0]
        sem = slots[slot][4]
        eoff = (cbase + g) * CW
        pltpu.async_copy(sw_hbm.at[0, pl.ds(eoff, CW)],
                         ebuf.at[pl.ds(0, CW)], sem)
        pltpu.async_copy(vw_hbm.at[pl.ds(eoff, CW)],
                         ebuf.at[pl.ds(CW, CW)], sem)
        pltpu.async_copy(dw_hbm.at[0, pl.ds(eoff, CW)],
                         ebuf.at[pl.ds(2 * CW, CW)], sem)

    def wait_inputs(slot):
        ebuf = slots[slot][0]
        sem = slots[slot][4]
        pltpu.make_async_copy(sw_hbm.at[0, pl.ds(0, 3 * CW)], ebuf, sem).wait()

    def compute(slot):
        ebuf, dstb, mv0, mv1 = slots[slot][:4]

        @plsc.parallel_loop(0, CW, 16, unroll=8)
        def _body(i):
            sw = ebuf[pl.ds(i, 16)]
            vw = ebuf[pl.ds(CW + i, 16)]
            dw = ebuf[pl.ds(2 * CW + i, 16)]
            g_lo = plsc.load_gather(x_v, [sw & MSK16])
            g_hi = plsc.load_gather(x_v, [lax.shift_right_logical(sw, 16)])
            v_lo = plsc.bitcast(lax.shift_left(vw, 16), jnp.float32)
            v_hi = plsc.bitcast(vw & MSKHI, jnp.float32)
            xa_lo = plsc.bitcast(lax.shift_left(g_lo, 16), jnp.float32)
            xb_lo = plsc.bitcast(g_lo & MSKHI, jnp.float32)
            xa_hi = plsc.bitcast(lax.shift_left(g_hi, 16), jnp.float32)
            xb_hi = plsc.bitcast(g_hi & MSKHI, jnp.float32)
            mv0[pl.ds(i, 16)] = xa_lo * v_lo
            mv0[pl.ds(CW + i, 16)] = xa_hi * v_hi
            mv1[pl.ds(i, 16)] = xb_lo * v_lo
            mv1[pl.ds(CW + i, 16)] = xb_hi * v_hi
            dstb[pl.ds(i, 16)] = dw & MSK16
            dstb[pl.ds(CW + i, 16)] = lax.shift_right_logical(dw, 16)

    def issue_scatter(slot):
        return
        _, dstb, mv0, mv1 = slots[slot][:4]
        sem = slots[slot][5]
        pltpu.async_copy(mv0, acc_sh.at[p].at[dstb], sem, add=True)
        pltpu.async_copy(mv1, acc_sh.at[p + 4].at[dstb], sem, add=True)

    def drain_scatter(slot):
        return
        _, dstb, mv0, mv1 = slots[slot][:4]
        sem = slots[slot][5]
        pltpu.make_async_copy(mv0, acc_sh.at[p].at[dstb], sem).wait()
        pltpu.make_async_copy(mv1, acc_sh.at[p + 4].at[dstb], sem).wait()

    start_inputs(0, 0)
    start_inputs(1, 1)
    xcp.wait()

    @pl.loop(0, NCHUNK, step=NSLOT)
    def _main(g):
        for j in range(NSLOT):
            wait_inputs(j)

            @pl.when(g + j >= 2)
            def _():
                drain_scatter(j)

            compute(j)
            issue_scatter(j)

            @pl.when(g + j + 2 < NCHUNK)
            def _():
                start_inputs(g + j + 2, j)

    drain_scatter(0)
    drain_scatter(1)

    plsc.subcore_barrier()
    for bb in (p, p + 4):
        pltpu.sync_copy(acc_sh.at[bb, pl.ds(quarter * QM, QM)],
                        out_hbm.at[c, bb, pl.ds(quarter * QM, QM)])


def _combine_body(p_ref, b_ref, o_ref):
    o_ref[...] = p_ref[0] + p_ref[1] + b_ref[...]


def _pack_body(ilo_ref, ihi_ref, vlo_ref, vhi_ref, sw_ref, vw_ref, dw_ref):
    il = ilo_ref[...]
    ih = ihi_ref[...]
    sw_ref[...] = il[0:1] | (ih[0:1] << 16)
    dw_ref[...] = il[1:2] | (ih[1:2] << 16)
    vb_lo = lax.bitcast_convert_type(vlo_ref[...], jnp.int32)
    vb_hi = lax.bitcast_convert_type(vhi_ref[...], jnp.int32)
    vw_ref[...] = (lax.shift_right_logical(vb_lo + 0x8000, 16)
                   | ((vb_hi + 0x8000) & jnp.int32(-65536)))


def _xpack_body(x_ref, o_ref):
    xb = lax.bitcast_convert_type(x_ref[...], jnp.int32)
    o_ref[...] = (lax.shift_right_logical(xb[:4] + 0x8000, 16)
                  | ((xb[4:] + 0x8000) & jnp.int32(-65536)))


PACK_X = 32768
NPBLK = (E // 2) // PACK_X


def kernel(x, values, bias, indices):
    xb = x.reshape(B, N)

    sw, vw, dw = pl.pallas_call(
        _pack_body,
        out_shape=(
            jax.ShapeDtypeStruct((1, E // 2), jnp.int32),
            jax.ShapeDtypeStruct((E // 2,), jnp.int32),
            jax.ShapeDtypeStruct((1, E // 2), jnp.int32),
        ),
        grid=(NPBLK,),
        in_specs=[
            pl.BlockSpec((2, PACK_X), lambda i: (0, i)),
            pl.BlockSpec((2, PACK_X), lambda i: (0, i + NPBLK)),
            pl.BlockSpec((PACK_X,), lambda i: (i,)),
            pl.BlockSpec((PACK_X,), lambda i: (i + NPBLK,)),
        ],
        out_specs=(
            pl.BlockSpec((1, PACK_X), lambda i: (0, i)),
            pl.BlockSpec((PACK_X,), lambda i: (i,)),
            pl.BlockSpec((1, PACK_X), lambda i: (0, i)),
        ),
    )(indices, indices, values, values)

    XPX = 8192
    xpair = pl.pallas_call(
        _xpack_body,
        out_shape=jax.ShapeDtypeStruct((4, N), jnp.int32),
        grid=(N // XPX,),
        in_specs=[pl.BlockSpec((8, XPX), lambda i: (0, i))],
        out_specs=pl.BlockSpec((4, XPX), lambda i: (0, i)),
    )(xb)

    mesh = plsc.VectorSubcoreMesh(core_axis_name="c", subcore_axis_name="s")
    cp = pltpu.CompilerParams(use_tc_tiling_on_sc=False)
    if "needs_layout_passes" in pltpu.CompilerParams.__dataclass_fields__:
        cp = dataclasses.replace(cp, needs_layout_passes=False)
    buf_types = []
    for _ in range(NSLOT):
        buf_types += [
            pltpu.VMEM((3 * CW,), jnp.int32),
            pltpu.VMEM((CH,), jnp.int32),
            pltpu.VMEM((CH,), jnp.float32),
            pltpu.VMEM((CH,), jnp.float32),
        ]
    sc = pl.kernel(
        _sc_kernel,
        out_type=jax.ShapeDtypeStruct((NC_CORES, B, M), jnp.float32),
        mesh=mesh,
        scratch_types=(
            [pltpu.VMEM((N,), jnp.int32)]
            + buf_types
            + [pltpu.VMEM((ZW,), jnp.float32),
               pltpu.VMEM_SHARED((B, M), jnp.float32)]
            + [pltpu.SemaphoreType.DMA] * (1 + 2 * NSLOT)
        ),
        compiler_params=cp,
    )
    partial = sc(xpair, sw, vw, dw)

    bl = 8192
    out = pl.pallas_call(
        _combine_body,
        out_shape=jax.ShapeDtypeStruct((B, M), jnp.float32),
        grid=(M // bl,),
        in_specs=[
            pl.BlockSpec((NC_CORES, B, bl), lambda i: (0, 0, i)),
            pl.BlockSpec((1, bl), lambda i: (0, i)),
        ],
        out_specs=pl.BlockSpec((B, bl), lambda i: (0, i)),
    )(partial, bias.reshape(1, M))
    return out.reshape(B, M, 1)

# --- scband reference (transcript-rebuilt; emitter-appended) ---
"""Pipeline reference for scband-sparse-linear2-59339268161791 (READ-ONLY COPY).

The authoritative reference and input builder live on the scoring server;
editing this copy changes nothing except your own understanding.
"""

import jax, jax.numpy as jnp
import numpy as np

N = 65536
M = 65536
E = 4194304
B = 8
D = 64

def setup_inputs(seed: int = 0) -> dict:
    key = jax.random.key(seed)
    k1, k2, k3, k4 = jax.random.split(key, 4)
    x = jax.random.normal(k1, (B, N, 1), dtype=jnp.float32)
    src = jax.random.randint(k2, (E,), 0, N, dtype=jnp.int32)
    dst = jax.random.randint(k3, (E,), 0, M, dtype=jnp.int32)
    indices = jnp.stack([src, dst], axis=0)
    values = jax.random.normal(k4, (E,), dtype=jnp.float32) * (2.0 / D) ** 0.5
    bias = jnp.zeros((M, 1), dtype=jnp.float32)
    return {"x": x, "values": values, "bias": bias, "indices": indices}

def reference(x, values, bias, indices):
    # Faithful translation of SparseLinear2.forward:
    # The torch module tiles the edge_index across the batch with per-batch
    # node-offsets, which is mathematically identical to applying the same
    # sparse (N -> M) scatter-add independently per batch element.
    src = indices[0]
    dst = indices[1]
    xb = x.reshape(B, N)                       # (B, N)
    # message: edge_weight * x_j  (gather on src)
    msgs = xb[:, src] * values[None, :]        # (B, E)
    # aggr='add': scatter-add into dst nodes
    out = jax.vmap(lambda m: jax.ops.segment_sum(m, dst, num_segments=M))(msgs)  # (B, M)
    # out.view(-1,1) + bias.view(-1,1), bias gathered per batched node == plain broadcast add
    out = out + bias.reshape(1, M)
    return out.reshape(B, M, 1)

if __name__ == "__main__":
    import jax
    _d = setup_inputs()
    print(jax.jit(kernel)(*tuple(_d.values())))

</pallas_src>

<mosaic_0001>
#map = affine_map<(d0, d1) -> (0, 0)>
#map1 = affine_map<(d0, d1) -> (0)>
#map2 = affine_map<(d0, d1) -> (0, 0, 0)>
module attributes {stable_mosaic.version = 14 : i64} {
  func.func @_sc_kernel(%arg0: i32, %arg1: i32, %arg2: memref<4x65536xi32, #tpu.memory_space<hbm>>, %arg3: memref<1x2097152xi32, #tpu.memory_space<hbm>>, %arg4: memref<2097152xi32, #tpu.memory_space<hbm>>, %arg5: memref<1x2097152xi32, #tpu.memory_space<hbm>>, %arg6: memref<2x8x65536xf32, #tpu.memory_space<hbm>>, %arg7: memref<65536xi32, #tpu.memory_space<vmem>>, %arg8: memref<3072xi32, #tpu.memory_space<vmem>>, %arg9: memref<2048xi32, #tpu.memory_space<vmem>>, %arg10: memref<2048xf32, #tpu.memory_space<vmem>>, %arg11: memref<2048xf32, #tpu.memory_space<vmem>>, %arg12: memref<3072xi32, #tpu.memory_space<vmem>>, %arg13: memref<2048xi32, #tpu.memory_space<vmem>>, %arg14: memref<2048xf32, #tpu.memory_space<vmem>>, %arg15: memref<2048xf32, #tpu.memory_space<vmem>>, %arg16: memref<2048xf32, #tpu.memory_space<vmem>>, %arg17: memref<8x65536xf32, #tpu.memory_space<vmem_shared>>, %arg18: memref<!tpu.dma_semaphore, #tpu.memory_space<semaphore_mem>>, %arg19: memref<!tpu.dma_semaphore, #tpu.memory_space<semaphore_mem>>, %arg20: memref<!tpu.dma_semaphore, #tpu.memory_space<semaphore_mem>>, %arg21: memref<!tpu.dma_semaphore, #tpu.memory_space<semaphore_mem>>, %arg22: memref<!tpu.dma_semaphore, #tpu.memory_space<semaphore_mem>>) attributes {dimension_semantics = [#tpu.dimension_semantics<core_parallel>, #tpu.dimension_semantics<subcore_parallel>], iteration_bounds = array<i64: 2, 16>, scalar_prefetch = 0 : i64, scratch_operands = 16 : i64, tpu.core_type = #tpu.core_type<sc_vector_subcore>, window_params = [{transform_indices = #map}, {transform_indices = #map}, {transform_indices = #map1}, {transform_indices = #map}, {transform_indices = #map2}]} {
    %jit3A = arith.constant 4 : i32
    %div3A = arith.divsi %arg1, %jit3A : i32
    %sign3A = arith.constant 0 : i32
    %sign3A_0 = arith.cmpi sgt, %arg1, %sign3A : i32
    %sign3A_1 = arith.extui %sign3A_0 : i1 to i32
    %sign3A_2 = arith.constant 0 : i32
    %sign3A_3 = arith.cmpi slt, %arg1, %sign3A_2 : i32
    %sign3A_4 = arith.extui %sign3A_3 : i1 to i32
    %sign3A_5 = arith.subi %sign3A_1, %sign3A_4 : i32
    %sign3A_6 = arith.constant 0 : i32
    %sign3A_7 = arith.cmpi sgt, %jit3A, %sign3A_6 : i32
    %sign3A_8 = arith.extui %sign3A_7 : i1 to i32
    %sign3A_9 = arith.constant 0 : i32
    %sign3A_10 = arith.cmpi slt, %jit3A, %sign3A_9 : i32
    %sign3A_11 = arith.extui %sign3A_10 : i1 to i32
    %sign3A_12 = arith.subi %sign3A_8, %sign3A_11 : i32
    %ne3A = arith.cmpi ne, %sign3A_5, %sign3A_12 : i32
    %rem3A = arith.remsi %arg1, %jit3A : i32
    %ne3A_13 = arith.constant 0 : i32
    %ne3A_14 = arith.cmpi ne, %rem3A, %ne3A_13 : i32
    %and3A = arith.andi %ne3A, %ne3A_14 : i1
    %sub3A = arith.constant 1 : i32
    %sub3A_15 = arith.subi %div3A, %sub3A : i32
    %select_n3A = arith.select %and3A, %sub3A_15, %div3A : i32
    %mul3A = arith.constant 4 : i32
    %mul3A_16 = arith.muli %arg0, %mul3A : i32
    %jit3A_17 = arith.constant 4 : i32
    %eq3A = arith.constant 0 : i32
    %eq3A_18 = arith.cmpi eq, %jit3A_17, %eq3A : i32
    %jit3A_19 = arith.constant 1 : i32
    %select_n3A_20 = arith.select %eq3A_18, %jit3A_19, %jit3A_17 : i32
    %rem3A_21 = arith.remsi %arg1, %select_n3A_20 : i32
    %ne3A_22 = arith.constant 0 : i32
    %ne3A_23 = arith.cmpi ne, %rem3A_21, %ne3A_22 : i32
    %lt3A = arith.constant 0 : i32
    %lt3A_24 = arith.cmpi slt, %rem3A_21, %lt3A : i32
    %lt3A_25 = arith.constant 0 : i32
    %lt3A_26 = arith.cmpi slt, %select_n3A_20, %lt3A_25 : i32
    %ne3A_27 = arith.xori %lt3A_24, %lt3A_26 : i1
    %and3A_28 = arith.andi %ne3A_27, %ne3A_23 : i1
    %add3A = arith.addi %rem3A_21, %select_n3A_20 : i32
    %select_n3A_29 = arith.select %and3A_28, %add3A, %rem3A_21 : i32
    %add3A_30 = arith.addi %mul3A_16, %select_n3A_29 : i32
    %jit3A_31 = arith.constant 4 : i32
    %eq3A_32 = arith.constant 0 : i32
    %eq3A_33 = arith.cmpi eq, %jit3A_31, %eq3A_32 : i32
    %jit3A_34 = arith.constant 1 : i32
    %select_n3A_35 = arith.select %eq3A_33, %jit3A_34, %jit3A_31 : i32
    %rem3A_36 = arith.remsi %arg1, %select_n3A_35 : i32
    %ne3A_37 = arith.constant 0 : i32
    %ne3A_38 = arith.cmpi ne, %rem3A_36, %ne3A_37 : i32
    %lt3A_39 = arith.constant 0 : i32
    %lt3A_40 = arith.cmpi slt, %rem3A_36, %lt3A_39 : i32
    %lt3A_41 = arith.constant 0 : i32
    %lt3A_42 = arith.cmpi slt, %select_n3A_35, %lt3A_41 : i32
    %ne3A_43 = arith.xori %lt3A_40, %lt3A_42 : i1
    %and3A_44 = arith.andi %ne3A_43, %ne3A_38 : i1
    %add3A_45 = arith.addi %rem3A_36, %select_n3A_35 : i32
    %select_n3A_46 = arith.select %and3A_44, %add3A_45, %rem3A_36 : i32
    %mul3A_47 = arith.constant 256 : i32
    %mul3A_48 = arith.muli %add3A_30, %mul3A_47 : i32
    %dma_start3A = arith.constant 0 : i32
    %dma_start3A_49 = tpu.memref_slice %arg2[%select_n3A, %dma_start3A] : memref<4x65536xi32, #tpu.memory_space<hbm>> -> memref<1x65536xi32, #tpu.memory_space<hbm>>
    %dma_start3A_50 = tpu.memref_squeeze %dma_start3A_49 : memref<1x65536xi32, #tpu.memory_space<hbm>> -> memref<65536xi32, #tpu.memory_space<hbm>>
    %dma_start3A_51 = arith.constant 0 : i32
    %dma_start3A_52 = tpu.memref_slice %arg2[%select_n3A, %dma_start3A_51] : memref<4x65536xi32, #tpu.memory_space<hbm>> -> memref<1x65536xi32, #tpu.memory_space<hbm>>
    %dma_start3A_53 = tpu.memref_squeeze %dma_start3A_52 : memref<1x65536xi32, #tpu.memory_space<hbm>> -> memref<65536xi32, #tpu.memory_space<hbm>>
    tpu.enqueue_dma source(%dma_start3A_53 : memref<65536xi32, #tpu.memory_space<hbm>>) target(%arg7 : memref<65536xi32, #tpu.memory_space<vmem>>) target_semaphore(%arg18 : memref<!tpu.dma_semaphore, #tpu.memory_space<semaphore_mem>>)
    %scan3A = arith.constant 0 : i32
    %scan3A_54 = arith.constant 128 : i32
    %scan3A_55 = arith.addi %scan3A, %scan3A_54 : i32
    %scan3A_56 = arith.constant 1 : i32
    scf.for %scan3A_201 = %scan3A to %scan3A_55 step %scan3A_56  : i32 {
      %mul3A_202 = arith.constant 16 : i32
      %mul3A_203 = arith.muli %scan3A_201, %mul3A_202 : i32
      %add3A_204 = arith.constant 0 : i32
      %add3A_205 = arith.addi %add3A_204, %mul3A_203 : i32
      %broadcast_in_dim3A = arith.constant 0.000000e+00 : f32
      %broadcast_in_dim3A_206 = vector.broadcast %broadcast_in_dim3A : f32 to vector<16xf32>
      %swap3A = arith.index_cast %add3A_205 : i32 to index
      %swap3A_207 = tpu.vector_load %arg16[%swap3A] {strides = array<i32>} : memref<2048xf32, #tpu.memory_space<vmem>>, vector<16xf32>,
      tpu.vector_store %arg16[%swap3A], %broadcast_in_dim3A_206 {strides = array<i32>} : memref<2048xf32, #tpu.memory_space<vmem>>, vector<16xf32>,
    }
    %scan3A_57 = arith.constant 128 : i32
    %add3A_58 = arith.constant 4 : i32
    %add3A_59 = arith.addi %select_n3A, %add3A_58 : i32
    %mul3A_60 = arith.constant 16384 : i32
    %mul3A_61 = arith.muli %select_n3A_46, %mul3A_60 : i32
    %add3A_62 = arith.constant 0 : i32
    %add3A_63 = arith.addi %mul3A_61, %add3A_62 : i32
    "tpu.region"() ({
      %run_scoped3A = tpu.sem_alloc : memref<!tpu.dma_semaphore, #tpu.memory_space<semaphore_mem>>
      %dma_start3A_201 = tpu.memref_slice %arg17[%select_n3A, %add3A_63] : memref<8x65536xf32, #tpu.memory_space<vmem_shared>> -> memref<1x2048xf32, #tpu.memory_space<vmem_shared>>
      %dma_start3A_202 = tpu.memref_squeeze %dma_start3A_201 : memref<1x2048xf32, #tpu.memory_space<vmem_shared>> -> memref<2048xf32, #tpu.memory_space<vmem_shared>>
      %dma_start3A_203 = tpu.memref_slice %arg17[%select_n3A, %add3A_63] : memref<8x65536xf32, #tpu.memory_space<vmem_shared>> -> memref<1x2048xf32, #tpu.memory_space<vmem_shared>>
      %dma_start3A_204 = tpu.memref_squeeze %dma_start3A_203 : memref<1x2048xf32, #tpu.memory_space<vmem_shared>> -> memref<2048xf32, #tpu.memory_space<vmem_shared>>
      tpu.enqueue_dma source(%arg16 : memref<2048xf32, #tpu.memory_space<vmem>>) target(%dma_start3A_204 : memref<2048xf32, #tpu.memory_space<vmem_shared>>) target_semaphore(%run_scoped3A : memref<!tpu.dma_semaphore, #tpu.memory_space<semaphore_mem>>)
      %dma_wait3A_205 = tpu.memref_slice %arg17[%select_n3A, %add3A_63] : memref<8x65536xf32, #tpu.memory_space<vmem_shared>> -> memref<1x2048xf32, #tpu.memory_space<vmem_shared>>
      %dma_wait3A_206 = tpu.memref_squeeze %dma_wait3A_205 : memref<1x2048xf32, #tpu.memory_space<vmem_shared>> -> memref<2048xf32, #tpu.memory_space<vmem_shared>>
      %dma_wait3A_207 = tpu.memref_slice %arg17[%select_n3A, %add3A_63] : memref<8x65536xf32, #tpu.memory_space<vmem_shared>> -> memref<1x2048xf32, #tpu.memory_space<vmem_shared>>
      %dma_wait3A_208 = tpu.memref_squeeze %dma_wait3A_207 : memref<1x2048xf32, #tpu.memory_space<vmem_shared>> -> memref<2048xf32, #tpu.memory_space<vmem_shared>>
      tpu.wait_dma2 semaphore(%run_scoped3A : memref<!tpu.dma_semaphore, #tpu.memory_space<semaphore_mem>>) src(%arg16 : memref<2048xf32, #tpu.memory_space<vmem>>) dst(%dma_wait3A_208 : memref<2048xf32, #tpu.memory_space<vmem_shared>>)
      tpu.yield
    }) : () -> ()
    %mul3A_64 = arith.constant 16384 : i32
    %mul3A_65 = arith.muli %select_n3A_46, %mul3A_64 : i32
    %add3A_66 = arith.constant 2048 : i32
    %add3A_67 = arith.addi %mul3A_65, %add3A_66 : i32
    "tpu.region"() ({
      %run_scoped3A = tpu.sem_alloc : memref<!tpu.dma_semaphore, #tpu.memory_space<semaphore_mem>>
      %dma_start3A_201 = tpu.memref_slice %arg17[%select_n3A, %add3A_67] : memref<8x65536xf32, #tpu.memory_space<vmem_shared>> -> memref<1x2048xf32, #tpu.memory_space<vmem_shared>>
      %dma_start3A_202 = tpu.memref_squeeze %dma_start3A_201 : memref<1x2048xf32, #tpu.memory_space<vmem_shared>> -> memref<2048xf32, #tpu.memory_space<vmem_shared>>
      %dma_start3A_203 = tpu.memref_slice %arg17[%select_n3A, %add3A_67] : memref<8x65536xf32, #tpu.memory_space<vmem_shared>> -> memref<1x2048xf32, #tpu.memory_space<vmem_shared>>
      %dma_start3A_204 = tpu.memref_squeeze %dma_start3A_203 : memref<1x2048xf32, #tpu.memory_space<vmem_shared>> -> memref<2048xf32, #tpu.memory_space<vmem_shared>>
      tpu.enqueue_dma source(%arg16 : memref<2048xf32, #tpu.memory_space<vmem>>) target(%dma_start3A_204 : memref<2048xf32, #tpu.memory_space<vmem_shared>>) target_semaphore(%run_scoped3A : memref<!tpu.dma_semaphore, #tpu.memory_space<semaphore_mem>>)
      %dma_wait3A_205 = tpu.memref_slice %arg17[%select_n3A, %add3A_67] : memref<8x65536xf32, #tpu.memory_space<vmem_shared>> -> memref<1x2048xf32, #tpu.memory_space<vmem_shared>>
      %dma_wait3A_206 = tpu.memref_squeeze %dma_wait3A_205 : memref<1x2048xf32, #tpu.memory_space<vmem_shared>> -> memref<2048xf32, #tpu.memory_space<vmem_shared>>
      %dma_wait3A_207 = tpu.memref_slice %arg17[%select_n3A, %add3A_67] : memref<8x65536xf32, #tpu.memory_space<vmem_shared>> -> memref<1x2048xf32, #tpu.memory_space<vmem_shared>>
      %dma_wait3A_208 = tpu.memref_squeeze %dma_wait3A_207 : memref<1x2048xf32, #tpu.memory_space<vmem_shared>> -> memref<2048xf32, #tpu.memory_space<vmem_shared>>
      tpu.wait_dma2 semaphore(%run_scoped3A : memref<!tpu.dma_semaphore, #tpu.memory_space<semaphore_mem>>) src(%arg16 : memref<2048xf32, #tpu.memory_space<vmem>>) dst(%dma_wait3A_208 : memref<2048xf32, #tpu.memory_space<vmem_shared>>)
      tpu.yield
    }) : () -> ()
    %mul3A_68 = arith.constant 16384 : i32
    %mul3A_69 = arith.muli %select_n3A_46, %mul3A_68 : i32
    %add3A_70 = arith.constant 4096 : i32
    %add3A_71 = arith.addi %mul3A_69, %add3A_70 : i32
    "tpu.region"() ({
      %run_scoped3A = tpu.sem_alloc : memref<!tpu.dma_semaphore, #tpu.memory_space<semaphore_mem>>
      %dma_start3A_201 = tpu.memref_slice %arg17[%select_n3A, %add3A_71] : memref<8x65536xf32, #tpu.memory_space<vmem_shared>> -> memref<1x2048xf32, #tpu.memory_space<vmem_shared>>
      %dma_start3A_202 = tpu.memref_squeeze %dma_start3A_201 : memref<1x2048xf32, #tpu.memory_space<vmem_shared>> -> memref<2048xf32, #tpu.memory_space<vmem_shared>>
      %dma_start3A_203 = tpu.memref_slice %arg17[%select_n3A, %add3A_71] : memref<8x65536xf32, #tpu.memory_space<vmem_shared>> -> memref<1x2048xf32, #tpu.memory_space<vmem_shared>>
      %dma_start3A_204 = tpu.memref_squeeze %dma_start3A_203 : memref<1x2048xf32, #tpu.memory_space<vmem_shared>> -> memref<2048xf32, #tpu.memory_space<vmem_shared>>
      tpu.enqueue_dma source(%arg16 : memref<2048xf32, #tpu.memory_space<vmem>>) target(%dma_start3A_204 : memref<2048xf32, #tpu.memory_space<vmem_shared>>) target_semaphore(%run_scoped3A : memref<!tpu.dma_semaphore, #tpu.memory_space<semaphore_mem>>)
      %dma_wait3A_205 = tpu.memref_slice %arg17[%select_n3A, %add3A_71] : memref<8x65536xf32, #tpu.memory_space<vmem_shared>> -> memref<1x2048xf32, #tpu.memory_space<vmem_shared>>
      %dma_wait3A_206 = tpu.memref_squeeze %dma_wait3A_205 : memref<1x2048xf32, #tpu.memory_space<vmem_shared>> -> memref<2048xf32, #tpu.memory_space<vmem_shared>>
      %dma_wait3A_207 = tpu.memref_slice %arg17[%select_n3A, %add3A_71] : memref<8x65536xf32, #tpu.memory_space<vmem_shared>> -> memref<1x2048xf32, #tpu.memory_space<vmem_shared>>
      %dma_wait3A_208 = tpu.memref_squeeze %dma_wait3A_207 : memref<1x2048xf32, #tpu.memory_space<vmem_shared>> -> memref<2048xf32, #tpu.memory_space<vmem_shared>>
      tpu.wait_dma2 semaphore(%run_scoped3A : memref<!tpu.dma_semaphore, #tpu.memory_space<semaphore_mem>>) src(%arg16 : memref<2048xf32, #tpu.memory_space<vmem>>) dst(%dma_wait3A_208 : memref<2048xf32, #tpu.memory_space<vmem_shared>>)
      tpu.yield
    }) : () -> ()
    %mul3A_72 = arith.constant 16384 : i32
    %mul3A_73 = arith.muli %select_n3A_46, %mul3A_72 : i32
    %add3A_74 = arith.constant 6144 : i32
    %add3A_75 = arith.addi %mul3A_73, %add3A_74 : i32
    "tpu.region"() ({
      %run_scoped3A = tpu.sem_alloc : memref<!tpu.dma_semaphore, #tpu.memory_space<semaphore_mem>>
      %dma_start3A_201 = tpu.memref_slice %arg17[%select_n3A, %add3A_75] : memref<8x65536xf32, #tpu.memory_space<vmem_shared>> -> memref<1x2048xf32, #tpu.memory_space<vmem_shared>>
      %dma_start3A_202 = tpu.memref_squeeze %dma_start3A_201 : memref<1x2048xf32, #tpu.memory_space<vmem_shared>> -> memref<2048xf32, #tpu.memory_space<vmem_shared>>
      %dma_start3A_203 = tpu.memref_slice %arg17[%select_n3A, %add3A_75] : memref<8x65536xf32, #tpu.memory_space<vmem_shared>> -> memref<1x2048xf32, #tpu.memory_space<vmem_shared>>
      %dma_start3A_204 = tpu.memref_squeeze %dma_start3A_203 : memref<1x2048xf32, #tpu.memory_space<vmem_shared>> -> memref<2048xf32, #tpu.memory_space<vmem_shared>>
      tpu.enqueue_dma source(%arg16 : memref<2048xf32, #tpu.memory_space<vmem>>) target(%dma_start3A_204 : memref<2048xf32, #tpu.memory_space<vmem_shared>>) target_semaphore(%run_scoped3A : memref<!tpu.dma_semaphore, #tpu.memory_space<semaphore_mem>>)
      %dma_wait3A_205 = tpu.memref_slice %arg17[%select_n3A, %add3A_75] : memref<8x65536xf32, #tpu.memory_space<vmem_shared>> -> memref<1x2048xf32, #tpu.memory_space<vmem_shared>>
      %dma_wait3A_206 = tpu.memref_squeeze %dma_wait3A_205 : memref<1x2048xf32, #tpu.memory_space<vmem_shared>> -> memref<2048xf32, #tpu.memory_space<vmem_shared>>
      %dma_wait3A_207 = tpu.memref_slice %arg17[%select_n3A, %add3A_75] : memref<8x65536xf32, #tpu.memory_space<vmem_shared>> -> memref<1x2048xf32, #tpu.memory_space<vmem_shared>>
      %dma_wait3A_208 = tpu.memref_squeeze %dma_wait3A_207 : memref<1x2048xf32, #tpu.memory_space<vmem_shared>> -> memref<2048xf32, #tpu.memory_space<vmem_shared>>
      tpu.wait_dma2 semaphore(%run_scoped3A : memref<!tpu.dma_semaphore, #tpu.memory_space<semaphore_mem>>) src(%arg16 : memref<2048xf32, #tpu.memory_space<vmem>>) dst(%dma_wait3A_208 : memref<2048xf32, #tpu.memory_space<vmem_shared>>)
      tpu.yield
    }) : () -> ()
    %mul3A_76 = arith.constant 16384 : i32
    %mul3A_77 = arith.muli %select_n3A_46, %mul3A_76 : i32
    %add3A_78 = arith.constant 8192 : i32
    %add3A_79 = arith.addi %mul3A_77, %add3A_78 : i32
    "tpu.region"() ({
      %run_scoped3A = tpu.sem_alloc : memref<!tpu.dma_semaphore, #tpu.memory_space<semaphore_mem>>
      %dma_start3A_201 = tpu.memref_slice %arg17[%select_n3A, %add3A_79] : memref<8x65536xf32, #tpu.memory_space<vmem_shared>> -> memref<1x2048xf32, #tpu.memory_space<vmem_shared>>
      %dma_start3A_202 = tpu.memref_squeeze %dma_start3A_201 : memref<1x2048xf32, #tpu.memory_space<vmem_shared>> -> memref<2048xf32, #tpu.memory_space<vmem_shared>>
      %dma_start3A_203 = tpu.memref_slice %arg17[%select_n3A, %add3A_79] : memref<8x65536xf32, #tpu.memory_space<vmem_shared>> -> memref<1x2048xf32, #tpu.memory_space<vmem_shared>>
      %dma_start3A_204 = tpu.memref_squeeze %dma_start3A_203 : memref<1x2048xf32, #tpu.memory_space<vmem_shared>> -> memref<2048xf32, #tpu.memory_space<vmem_shared>>
      tpu.enqueue_dma source(%arg16 : memref<2048xf32, #tpu.memory_space<vmem>>) target(%dma_start3A_204 : memref<2048xf32, #tpu.memory_space<vmem_shared>>) target_semaphore(%run_scoped3A : memref<!tpu.dma_semaphore, #tpu.memory_space<semaphore_mem>>)
      %dma_wait3A_205 = tpu.memref_slice %arg17[%select_n3A, %add3A_79] : memref<8x65536xf32, #tpu.memory_space<vmem_shared>> -> memref<1x2048xf32, #tpu.memory_space<vmem_shared>>
      %dma_wait3A_206 = tpu.memref_squeeze %dma_wait3A_205 : memref<1x2048xf32, #tpu.memory_space<vmem_shared>> -> memref<2048xf32, #tpu.memory_space<vmem_shared>>
      %dma_wait3A_207 = tpu.memref_slice %arg17[%select_n3A, %add3A_79] : memref<8x65536xf32, #tpu.memory_space<vmem_shared>> -> memref<1x2048xf32, #tpu.memory_space<vmem_shared>>
      %dma_wait3A_208 = tpu.memref_squeeze %dma_wait3A_207 : memref<1x2048xf32, #tpu.memory_space<vmem_shared>> -> memref<2048xf32, #tpu.memory_space<vmem_shared>>
      tpu.wait_dma2 semaphore(%run_scoped3A : memref<!tpu.dma_semaphore, #tpu.memory_space<semaphore_mem>>) src(%arg16 : memref<2048xf32, #tpu.memory_space<vmem>>) dst(%dma_wait3A_208 : memref<2048xf32, #tpu.memory_space<vmem_shared>>)
      tpu.yield
    }) : () -> ()
    %mul3A_80 = arith.constant 16384 : i32
    %mul3A_81 = arith.muli %select_n3A_46, %mul3A_80 : i32
    %add3A_82 = arith.constant 10240 : i32
    %add3A_83 = arith.addi %mul3A_81, %add3A_82 : i32
    "tpu.region"() ({
      %run_scoped3A = tpu.sem_alloc : memref<!tpu.dma_semaphore, #tpu.memory_space<semaphore_mem>>
      %dma_start3A_201 = tpu.memref_slice %arg17[%select_n3A, %add3A_83] : memref<8x65536xf32, #tpu.memory_space<vmem_shared>> -> memref<1x2048xf32, #tpu.memory_space<vmem_shared>>
      %dma_start3A_202 = tpu.memref_squeeze %dma_start3A_201 : memref<1x2048xf32, #tpu.memory_space<vmem_shared>> -> memref<2048xf32, #tpu.memory_space<vmem_shared>>
      %dma_start3A_203 = tpu.memref_slice %arg17[%select_n3A, %add3A_83] : memref<8x65536xf32, #tpu.memory_space<vmem_shared>> -> memref<1x2048xf32, #tpu.memory_space<vmem_shared>>
      %dma_start3A_204 = tpu.memref_squeeze %dma_start3A_203 : memref<1x2048xf32, #tpu.memory_space<vmem_shared>> -> memref<2048xf32, #tpu.memory_space<vmem_shared>>
      tpu.enqueue_dma source(%arg16 : memref<2048xf32, #tpu.memory_space<vmem>>) target(%dma_start3A_204 : memref<2048xf32, #tpu.memory_space<vmem_shared>>) target_semaphore(%run_scoped3A : memref<!tpu.dma_semaphore, #tpu.memory_space<semaphore_mem>>)
      %dma_wait3A_205 = tpu.memref_slice %arg17[%select_n3A, %add3A_83] : memref<8x65536xf32, #tpu.memory_space<vmem_shared>> -> memref<1x2048xf32, #tpu.memory_space<vmem_shared>>
      %dma_wait3A_206 = tpu.memref_squeeze %dma_wait3A_205 : memref<1x2048xf32, #tpu.memory_space<vmem_shared>> -> memref<2048xf32, #tpu.memory_space<vmem_shared>>
      %dma_wait3A_207 = tpu.memref_slice %arg17[%select_n3A, %add3A_83] : memref<8x65536xf32, #tpu.memory_space<vmem_shared>> -> memref<1x2048xf32, #tpu.memory_space<vmem_shared>>
      %dma_wait3A_208 = tpu.memref_squeeze %dma_wait3A_207 : memref<1x2048xf32, #tpu.memory_space<vmem_shared>> -> memref<2048xf32, #tpu.memory_space<vmem_shared>>
      tpu.wait_dma2 semaphore(%run_scoped3A : memref<!tpu.dma_semaphore, #tpu.memory_space<semaphore_mem>>) src(%arg16 : memref<2048xf32, #tpu.memory_space<vmem>>) dst(%dma_wait3A_208 : memref<2048xf32, #tpu.memory_space<vmem_shared>>)
      tpu.yield
    }) : () -> ()
    %mul3A_84 = arith.constant 16384 : i32
    %mul3A_85 = arith.muli %select_n3A_46, %mul3A_84 : i32
    %add3A_86 = arith.constant 12288 : i32
    %add3A_87 = arith.addi %mul3A_85, %add3A_86 : i32
    "tpu.region"() ({
      %run_scoped3A = tpu.sem_alloc : memref<!tpu.dma_semaphore, #tpu.memory_space<semaphore_mem>>
      %dma_start3A_201 = tpu.memref_slice %arg17[%select_n3A, %add3A_87] : memref<8x65536xf32, #tpu.memory_space<vmem_shared>> -> memref<1x2048xf32, #tpu.memory_space<vmem_shared>>
      %dma_start3A_202 = tpu.memref_squeeze %dma_start3A_201 : memref<1x2048xf32, #tpu.memory_space<vmem_shared>> -> memref<2048xf32, #tpu.memory_space<vmem_shared>>
      %dma_start3A_203 = tpu.memref_slice %arg17[%select_n3A, %add3A_87] : memref<8x65536xf32, #tpu.memory_space<vmem_shared>> -> memref<1x2048xf32, #tpu.memory_space<vmem_shared>>
      %dma_start3A_204 = tpu.memref_squeeze %dma_start3A_203 : memref<1x2048xf32, #tpu.memory_space<vmem_shared>> -> memref<2048xf32, #tpu.memory_space<vmem_shared>>
      tpu.enqueue_dma source(%arg16 : memref<2048xf32, #tpu.memory_space<vmem>>) target(%dma_start3A_204 : memref<2048xf32, #tpu.memory_space<vmem_shared>>) target_semaphore(%run_scoped3A : memref<!tpu.dma_semaphore, #tpu.memory_space<semaphore_mem>>)
      %dma_wait3A_205 = tpu.memref_slice %arg17[%select_n3A, %add3A_87] : memref<8x65536xf32, #tpu.memory_space<vmem_shared>> -> memref<1x2048xf32, #tpu.memory_space<vmem_shared>>
      %dma_wait3A_206 = tpu.memref_squeeze %dma_wait3A_205 : memref<1x2048xf32, #tpu.memory_space<vmem_shared>> -> memref<2048xf32, #tpu.memory_space<vmem_shared>>
      %dma_wait3A_207 = tpu.memref_slice %arg17[%select_n3A, %add3A_87] : memref<8x65536xf32, #tpu.memory_space<vmem_shared>> -> memref<1x2048xf32, #tpu.memory_space<vmem_shared>>
      %dma_wait3A_208 = tpu.memref_squeeze %dma_wait3A_207 : memref<1x2048xf32, #tpu.memory_space<vmem_shared>> -> memref<2048xf32, #tpu.memory_space<vmem_shared>>
      tpu.wait_dma2 semaphore(%run_scoped3A : memref<!tpu.dma_semaphore, #tpu.memory_space<semaphore_mem>>) src(%arg16 : memref<2048xf32, #tpu.memory_space<vmem>>) dst(%dma_wait3A_208 : memref<2048xf32, #tpu.memory_space<vmem_shared>>)
      tpu.yield
    }) : () -> ()
    %mul3A_88 = arith.constant 16384 : i32
    %mul3A_89 = arith.muli %select_n3A_46, %mul3A_88 : i32
    %add3A_90 = arith.constant 14336 : i32
    %add3A_91 = arith.addi %mul3A_89, %add3A_90 : i32
    "tpu.region"() ({
      %run_scoped3A = tpu.sem_alloc : memref<!tpu.dma_semaphore, #tpu.memory_space<semaphore_mem>>
      %dma_start3A_201 = tpu.memref_slice %arg17[%select_n3A, %add3A_91] : memref<8x65536xf32, #tpu.memory_space<vmem_shared>> -> memref<1x2048xf32, #tpu.memory_space<vmem_shared>>
      %dma_start3A_202 = tpu.memref_squeeze %dma_start3A_201 : memref<1x2048xf32, #tpu.memory_space<vmem_shared>> -> memref<2048xf32, #tpu.memory_space<vmem_shared>>
      %dma_start3A_203 = tpu.memref_slice %arg17[%select_n3A, %add3A_91] : memref<8x65536xf32, #tpu.memory_space<vmem_shared>> -> memref<1x2048xf32, #tpu.memory_space<vmem_shared>>
      %dma_start3A_204 = tpu.memref_squeeze %dma_start3A_203 : memref<1x2048xf32, #tpu.memory_space<vmem_shared>> -> memref<2048xf32, #tpu.memory_space<vmem_shared>>
      tpu.enqueue_dma source(%arg16 : memref<2048xf32, #tpu.memory_space<vmem>>) target(%dma_start3A_204 : memref<2048xf32, #tpu.memory_space<vmem_shared>>) target_semaphore(%run_scoped3A : memref<!tpu.dma_semaphore, #tpu.memory_space<semaphore_mem>>)
      %dma_wait3A_205 = tpu.memref_slice %arg17[%select_n3A, %add3A_91] : memref<8x65536xf32, #tpu.memory_space<vmem_shared>> -> memref<1x2048xf32, #tpu.memory_space<vmem_shared>>
      %dma_wait3A_206 = tpu.memref_squeeze %dma_wait3A_205 : memref<1x2048xf32, #tpu.memory_space<vmem_shared>> -> memref<2048xf32, #tpu.memory_space<vmem_shared>>
      %dma_wait3A_207 = tpu.memref_slice %arg17[%select_n3A, %add3A_91] : memref<8x65536xf32, #tpu.memory_space<vmem_shared>> -> memref<1x2048xf32, #tpu.memory_space<vmem_shared>>
      %dma_wait3A_208 = tpu.memref_squeeze %dma_wait3A_207 : memref<1x2048xf32, #tpu.memory_space<vmem_shared>> -> memref<2048xf32, #tpu.memory_space<vmem_shared>>
      tpu.wait_dma2 semaphore(%run_scoped3A : memref<!tpu.dma_semaphore, #tpu.memory_space<semaphore_mem>>) src(%arg16 : memref<2048xf32, #tpu.memory_space<vmem>>) dst(%dma_wait3A_208 : memref<2048xf32, #tpu.memory_space<vmem_shared>>)
      tpu.yield
    }) : () -> ()
    %mul3A_92 = arith.constant 16384 : i32
    %mul3A_93 = arith.muli %select_n3A_46, %mul3A_92 : i32
    %add3A_94 = arith.constant 0 : i32
    %add3A_95 = arith.addi %mul3A_93, %add3A_94 : i32
    "tpu.region"() ({
      %run_scoped3A = tpu.sem_alloc : memref<!tpu.dma_semaphore, #tpu.memory_space<semaphore_mem>>
      %dma_start3A_201 = tpu.memref_slice %arg17[%add3A_59, %add3A_95] : memref<8x65536xf32, #tpu.memory_space<vmem_shared>> -> memref<1x2048xf32, #tpu.memory_space<vmem_shared>>
      %dma_start3A_202 = tpu.memref_squeeze %dma_start3A_201 : memref<1x2048xf32, #tpu.memory_space<vmem_shared>> -> memref<2048xf32, #tpu.memory_space<vmem_shared>>
      %dma_start3A_203 = tpu.memref_slice %arg17[%add3A_59, %add3A_95] : memref<8x65536xf32, #tpu.memory_space<vmem_shared>> -> memref<1x2048xf32, #tpu.memory_space<vmem_shared>>
      %dma_start3A_204 = tpu.memref_squeeze %dma_start3A_203 : memref<1x2048xf32, #tpu.memory_space<vmem_shared>> -> memref<2048xf32, #tpu.memory_space<vmem_shared>>
      tpu.enqueue_dma source(%arg16 : memref<2048xf32, #tpu.memory_space<vmem>>) target(%dma_start3A_204 : memref<2048xf32, #tpu.memory_space<vmem_shared>>) target_semaphore(%run_scoped3A : memref<!tpu.dma_semaphore, #tpu.memory_space<semaphore_mem>>)
      %dma_wait3A_205 = tpu.memref_slice %arg17[%add3A_59, %add3A_95] : memref<8x65536xf32, #tpu.memory_space<vmem_shared>> -> memref<1x2048xf32, #tpu.memory_space<vmem_shared>>
      %dma_wait3A_206 = tpu.memref_squeeze %dma_wait3A_205 : memref<1x2048xf32, #tpu.memory_space<vmem_shared>> -> memref<2048xf32, #tpu.memory_space<vmem_shared>>
      %dma_wait3A_207 = tpu.memref_slice %arg17[%add3A_59, %add3A_95] : memref<8x65536xf32, #tpu.memory_space<vmem_shared>> -> memref<1x2048xf32, #tpu.memory_space<vmem_shared>>
      %dma_wait3A_208 = tpu.memref_squeeze %dma_wait3A_207 : memref<1x2048xf32, #tpu.memory_space<vmem_shared>> -> memref<2048xf32, #tpu.memory_space<vmem_shared>>
      tpu.wait_dma2 semaphore(%run_scoped3A : memref<!tpu.dma_semaphore, #tpu.memory_space<semaphore_mem>>) src(%arg16 : memref<2048xf32, #tpu.memory_space<vmem>>) dst(%dma_wait3A_208 : memref<2048xf32, #tpu.memory_space<vmem_shared>>)
      tpu.yield
    }) : () -> ()
    %mul3A_96 = arith.constant 16384 : i32
    %mul3A_97 = arith.muli %select_n3A_46, %mul3A_96 : i32
    %add3A_98 = arith.constant 2048 : i32
    %add3A_99 = arith.addi %mul3A_97, %add3A_98 : i32
    "tpu.region"() ({
      %run_scoped3A = tpu.sem_alloc : memref<!tpu.dma_semaphore, #tpu.memory_space<semaphore_mem>>
      %dma_start3A_201 = tpu.memref_slice %arg17[%add3A_59, %add3A_99] : memref<8x65536xf32, #tpu.memory_space<vmem_shared>> -> memref<1x2048xf32, #tpu.memory_space<vmem_shared>>
      %dma_start3A_202 = tpu.memref_squeeze %dma_start3A_201 : memref<1x2048xf32, #tpu.memory_space<vmem_shared>> -> memref<2048xf32, #tpu.memory_space<vmem_shared>>
      %dma_start3A_203 = tpu.memref_slice %arg17[%add3A_59, %add3A_99] : memref<8x65536xf32, #tpu.memory_space<vmem_shared>> -> memref<1x2048xf32, #tpu.memory_space<vmem_shared>>
      %dma_start3A_204 = tpu.memref_squeeze %dma_start3A_203 : memref<1x2048xf32, #tpu.memory_space<vmem_shared>> -> memref<2048xf32, #tpu.memory_space<vmem_shared>>
      tpu.enqueue_dma source(%arg16 : memref<2048xf32, #tpu.memory_space<vmem>>) target(%dma_start3A_204 : memref<2048xf32, #tpu.memory_space<vmem_shared>>) target_semaphore(%run_scoped3A : memref<!tpu.dma_semaphore, #tpu.memory_space<semaphore_mem>>)
      %dma_wait3A_205 = tpu.memref_slice %arg17[%add3A_59, %add3A_99] : memref<8x65536xf32, #tpu.memory_space<vmem_shared>> -> memref<1x2048xf32, #tpu.memory_space<vmem_shared>>
      %dma_wait3A_206 = tpu.memref_squeeze %dma_wait3A_205 : memref<1x2048xf32, #tpu.memory_space<vmem_shared>> -> memref<2048xf32, #tpu.memory_space<vmem_shared>>
      %dma_wait3A_207 = tpu.memref_slice %arg17[%add3A_59, %add3A_99] : memref<8x65536xf32, #tpu.memory_space<vmem_shared>> -> memref<1x2048xf32, #tpu.memory_space<vmem_shared>>
      %dma_wait3A_208 = tpu.memref_squeeze %dma_wait3A_207 : memref<1x2048xf32, #tpu.memory_space<vmem_shared>> -> memref<2048xf32, #tpu.memory_space<vmem_shared>>
      tpu.wait_dma2 semaphore(%run_scoped3A : memref<!tpu.dma_semaphore, #tpu.memory_space<semaphore_mem>>) src(%arg16 : memref<2048xf32, #tpu.memory_space<vmem>>) dst(%dma_wait3A_208 : memref<2048xf32, #tpu.memory_space<vmem_shared>>)
      tpu.yield
    }) : () -> ()
    %mul3A_100 = arith.constant 16384 : i32
    %mul3A_101 = arith.muli %select_n3A_46, %mul3A_100 : i32
    %add3A_102 = arith.constant 4096 : i32
    %add3A_103 = arith.addi %mul3A_101, %add3A_102 : i32
    "tpu.region"() ({
      %run_scoped3A = tpu.sem_alloc : memref<!tpu.dma_semaphore, #tpu.memory_space<semaphore_mem>>
      %dma_start3A_201 = tpu.memref_slice %arg17[%add3A_59, %add3A_103] : memref<8x65536xf32, #tpu.memory_space<vmem_shared>> -> memref<1x2048xf32, #tpu.memory_space<vmem_shared>>
      %dma_start3A_202 = tpu.memref_squeeze %dma_start3A_201 : memref<1x2048xf32, #tpu.memory_space<vmem_shared>> -> memref<2048xf32, #tpu.memory_space<vmem_shared>>
      %dma_start3A_203 = tpu.memref_slice %arg17[%add3A_59, %add3A_103] : memref<8x65536xf32, #tpu.memory_space<vmem_shared>> -> memref<1x2048xf32, #tpu.memory_space<vmem_shared>>
      %dma_start3A_204 = tpu.memref_squeeze %dma_start3A_203 : memref<1x2048xf32, #tpu.memory_space<vmem_shared>> -> memref<2048xf32, #tpu.memory_space<vmem_shared>>
      tpu.enqueue_dma source(%arg16 : memref<2048xf32, #tpu.memory_space<vmem>>) target(%dma_start3A_204 : memref<2048xf32, #tpu.memory_space<vmem_shared>>) target_semaphore(%run_scoped3A : memref<!tpu.dma_semaphore, #tpu.memory_space<semaphore_mem>>)
      %dma_wait3A_205 = tpu.memref_slice %arg17[%add3A_59, %add3A_103] : memref<8x65536xf32, #tpu.memory_space<vmem_shared>> -> memref<1x2048xf32, #tpu.memory_space<vmem_shared>>
      %dma_wait3A_206 = tpu.memref_squeeze %dma_wait3A_205 : memref<1x2048xf32, #tpu.memory_space<vmem_shared>> -> memref<2048xf32, #tpu.memory_space<vmem_shared>>
      %dma_wait3A_207 = tpu.memref_slice %arg17[%add3A_59, %add3A_103] : memref<8x65536xf32, #tpu.memory_space<vmem_shared>> -> memref<1x2048xf32, #tpu.memory_space<vmem_shared>>
      %dma_wait3A_208 = tpu.memref_squeeze %dma_wait3A_207 : memref<1x2048xf32, #tpu.memory_space<vmem_shared>> -> memref<2048xf32, #tpu.memory_space<vmem_shared>>
      tpu.wait_dma2 semaphore(%run_scoped3A : memref<!tpu.dma_semaphore, #tpu.memory_space<semaphore_mem>>) src(%arg16 : memref<2048xf32, #tpu.memory_space<vmem>>) dst(%dma_wait3A_208 : memref<2048xf32, #tpu.memory_space<vmem_shared>>)
      tpu.yield
    }) : () -> ()
    %mul3A_104 = arith.constant 16384 : i32
    %mul3A_105 = arith.muli %select_n3A_46, %mul3A_104 : i32
    %add3A_106 = arith.constant 6144 : i32
    %add3A_107 = arith.addi %mul3A_105, %add3A_106 : i32
    "tpu.region"() ({
      %run_scoped3A = tpu.sem_alloc : memref<!tpu.dma_semaphore, #tpu.memory_space<semaphore_mem>>
      %dma_start3A_201 = tpu.memref_slice %arg17[%add3A_59, %add3A_107] : memref<8x65536xf32, #tpu.memory_space<vmem_shared>> -> memref<1x2048xf32, #tpu.memory_space<vmem_shared>>
      %dma_start3A_202 = tpu.memref_squeeze %dma_start3A_201 : memref<1x2048xf32, #tpu.memory_space<vmem_shared>> -> memref<2048xf32, #tpu.memory_space<vmem_shared>>
      %dma_start3A_203 = tpu.memref_slice %arg17[%add3A_59, %add3A_107] : memref<8x65536xf32, #tpu.memory_space<vmem_shared>> -> memref<1x2048xf32, #tpu.memory_space<vmem_shared>>
      %dma_start3A_204 = tpu.memref_squeeze %dma_start3A_203 : memref<1x2048xf32, #tpu.memory_space<vmem_shared>> -> memref<2048xf32, #tpu.memory_space<vmem_shared>>
      tpu.enqueue_dma source(%arg16 : memref<2048xf32, #tpu.memory_space<vmem>>) target(%dma_start3A_204 : memref<2048xf32, #tpu.memory_space<vmem_shared>>) target_semaphore(%run_scoped3A : memref<!tpu.dma_semaphore, #tpu.memory_space<semaphore_mem>>)
      %dma_wait3A_205 = tpu.memref_slice %arg17[%add3A_59, %add3A_107] : memref<8x65536xf32, #tpu.memory_space<vmem_shared>> -> memref<1x2048xf32, #tpu.memory_space<vmem_shared>>
      %dma_wait3A_206 = tpu.memref_squeeze %dma_wait3A_205 : memref<1x2048xf32, #tpu.memory_space<vmem_shared>> -> memref<2048xf32, #tpu.memory_space<vmem_shared>>
      %dma_wait3A_207 = tpu.memref_slice %arg17[%add3A_59, %add3A_107] : memref<8x65536xf32, #tpu.memory_space<vmem_shared>> -> memref<1x2048xf32, #tpu.memory_space<vmem_shared>>
      %dma_wait3A_208 = tpu.memref_squeeze %dma_wait3A_207 : memref<1x2048xf32, #tpu.memory_space<vmem_shared>> -> memref<2048xf32, #tpu.memory_space<vmem_shared>>
      tpu.wait_dma2 semaphore(%run_scoped3A : memref<!tpu.dma_semaphore, #tpu.memory_space<semaphore_mem>>) src(%arg16 : memref<2048xf32, #tpu.memory_space<vmem>>) dst(%dma_wait3A_208 : memref<2048xf32, #tpu.memory_space<vmem_shared>>)
      tpu.yield
    }) : () -> ()
    %mul3A_108 = arith.constant 16384 : i32
    %mul3A_109 = arith.muli %select_n3A_46, %mul3A_108 : i32
    %add3A_110 = arith.constant 8192 : i32
    %add3A_111 = arith.addi %mul3A_109, %add3A_110 : i32
    "tpu.region"() ({
      %run_scoped3A = tpu.sem_alloc : memref<!tpu.dma_semaphore, #tpu.memory_space<semaphore_mem>>
      %dma_start3A_201 = tpu.memref_slice %arg17[%add3A_59, %add3A_111] : memref<8x65536xf32, #tpu.memory_space<vmem_shared>> -> memref<1x2048xf32, #tpu.memory_space<vmem_shared>>
      %dma_start3A_202 = tpu.memref_squeeze %dma_start3A_201 : memref<1x2048xf32, #tpu.memory_space<vmem_shared>> -> memref<2048xf32, #tpu.memory_space<vmem_shared>>
      %dma_start3A_203 = tpu.memref_slice %arg17[%add3A_59, %add3A_111] : memref<8x65536xf32, #tpu.memory_space<vmem_shared>> -> memref<1x2048xf32, #tpu.memory_space<vmem_shared>>
      %dma_start3A_204 = tpu.memref_squeeze %dma_start3A_203 : memref<1x2048xf32, #tpu.memory_space<vmem_shared>> -> memref<2048xf32, #tpu.memory_space<vmem_shared>>
      tpu.enqueue_dma source(%arg16 : memref<2048xf32, #tpu.memory_space<vmem>>) target(%dma_start3A_204 : memref<2048xf32, #tpu.memory_space<vmem_shared>>) target_semaphore(%run_scoped3A : memref<!tpu.dma_semaphore, #tpu.memory_space<semaphore_mem>>)
      %dma_wait3A_205 = tpu.memref_slice %arg17[%add3A_59, %add3A_111] : memref<8x65536xf32, #tpu.memory_space<vmem_shared>> -> memref<1x2048xf32, #tpu.memory_space<vmem_shared>>
      %dma_wait3A_206 = tpu.memref_squeeze %dma_wait3A_205 : memref<1x2048xf32, #tpu.memory_space<vmem_shared>> -> memref<2048xf32, #tpu.memory_space<vmem_shared>>
      %dma_wait3A_207 = tpu.memref_slice %arg17[%add3A_59, %add3A_111] : memref<8x65536xf32, #tpu.memory_space<vmem_shared>> -> memref<1x2048xf32, #tpu.memory_space<vmem_shared>>
      %dma_wait3A_208 = tpu.memref_squeeze %dma_wait3A_207 : memref<1x2048xf32, #tpu.memory_space<vmem_shared>> -> memref<2048xf32, #tpu.memory_space<vmem_shared>>
      tpu.wait_dma2 semaphore(%run_scoped3A : memref<!tpu.dma_semaphore, #tpu.memory_space<semaphore_mem>>) src(%arg16 : memref<2048xf32, #tpu.memory_space<vmem>>) dst(%dma_wait3A_208 : memref<2048xf32, #tpu.memory_space<vmem_shared>>)
      tpu.yield
    }) : () -> ()
    %mul3A_112 = arith.constant 16384 : i32
    %mul3A_113 = arith.muli %select_n3A_46, %mul3A_112 : i32
    %add3A_114 = arith.constant 10240 : i32
    %add3A_115 = arith.addi %mul3A_113, %add3A_114 : i32
    "tpu.region"() ({
      %run_scoped3A = tpu.sem_alloc : memref<!tpu.dma_semaphore, #tpu.memory_space<semaphore_mem>>
      %dma_start3A_201 = tpu.memref_slice %arg17[%add3A_59, %add3A_115] : memref<8x65536xf32, #tpu.memory_space<vmem_shared>> -> memref<1x2048xf32, #tpu.memory_space<vmem_shared>>
      %dma_start3A_202 = tpu.memref_squeeze %dma_start3A_201 : memref<1x2048xf32, #tpu.memory_space<vmem_shared>> -> memref<2048xf32, #tpu.memory_space<vmem_shared>>
      %dma_start3A_203 = tpu.memref_slice %arg17[%add3A_59, %add3A_115] : memref<8x65536xf32, #tpu.memory_space<vmem_shared>> -> memref<1x2048xf32, #tpu.memory_space<vmem_shared>>
      %dma_start3A_204 = tpu.memref_squeeze %dma_start3A_203 : memref<1x2048xf32, #tpu.memory_space<vmem_shared>> -> memref<2048xf32, #tpu.memory_space<vmem_shared>>
      tpu.enqueue_dma source(%arg16 : memref<2048xf32, #tpu.memory_space<vmem>>) target(%dma_start3A_204 : memref<2048xf32, #tpu.memory_space<vmem_shared>>) target_semaphore(%run_scoped3A : memref<!tpu.dma_semaphore, #tpu.memory_space<semaphore_mem>>)
      %dma_wait3A_205 = tpu.memref_slice %arg17[%add3A_59, %add3A_115] : memref<8x65536xf32, #tpu.memory_space<vmem_shared>> -> memref<1x2048xf32, #tpu.memory_space<vmem_shared>>
      %dma_wait3A_206 = tpu.memref_squeeze %dma_wait3A_205 : memref<1x2048xf32, #tpu.memory_space<vmem_shared>> -> memref<2048xf32, #tpu.memory_space<vmem_shared>>
      %dma_wait3A_207 = tpu.memref_slice %arg17[%add3A_59, %add3A_115] : memref<8x65536xf32, #tpu.memory_space<vmem_shared>> -> memref<1x2048xf32, #tpu.memory_space<vmem_shared>>
      %dma_wait3A_208 = tpu.memref_squeeze %dma_wait3A_207 : memref<1x2048xf32, #tpu.memory_space<vmem_shared>> -> memref<2048xf32, #tpu.memory_space<vmem_shared>>
      tpu.wait_dma2 semaphore(%run_scoped3A : memref<!tpu.dma_semaphore, #tpu.memory_space<semaphore_mem>>) src(%arg16 : memref<2048xf32, #tpu.memory_space<vmem>>) dst(%dma_wait3A_208 : memref<2048xf32, #tpu.memory_space<vmem_shared>>)
      tpu.yield
    }) : () -> ()
    %mul3A_116 = arith.constant 16384 : i32
    %mul3A_117 = arith.muli %select_n3A_46, %mul3A_116 : i32
    %add3A_118 = arith.constant 12288 : i32
    %add3A_119 = arith.addi %mul3A_117, %add3A_118 : i32
    "tpu.region"() ({
      %run_scoped3A = tpu.sem_alloc : memref<!tpu.dma_semaphore, #tpu.memory_space<semaphore_mem>>
      %dma_start3A_201 = tpu.memref_slice %arg17[%add3A_59, %add3A_119] : memref<8x65536xf32, #tpu.memory_space<vmem_shared>> -> memref<1x2048xf32, #tpu.memory_space<vmem_shared>>
      %dma_start3A_202 = tpu.memref_squeeze %dma_start3A_201 : memref<1x2048xf32, #tpu.memory_space<vmem_shared>> -> memref<2048xf32, #tpu.memory_space<vmem_shared>>
      %dma_start3A_203 = tpu.memref_slice %arg17[%add3A_59, %add3A_119] : memref<8x65536xf32, #tpu.memory_space<vmem_shared>> -> memref<1x2048xf32, #tpu.memory_space<vmem_shared>>
      %dma_start3A_204 = tpu.memref_squeeze %dma_start3A_203 : memref<1x2048xf32, #tpu.memory_space<vmem_shared>> -> memref<2048xf32, #tpu.memory_space<vmem_shared>>
      tpu.enqueue_dma source(%arg16 : memref<2048xf32, #tpu.memory_space<vmem>>) target(%dma_start3A_204 : memref<2048xf32, #tpu.memory_space<vmem_shared>>) target_semaphore(%run_scoped3A : memref<!tpu.dma_semaphore, #tpu.memory_space<semaphore_mem>>)
      %dma_wait3A_205 = tpu.memref_slice %arg17[%add3A_59, %add3A_119] : memref<8x65536xf32, #tpu.memory_space<vmem_shared>> -> memref<1x2048xf32, #tpu.memory_space<vmem_shared>>
      %dma_wait3A_206 = tpu.memref_squeeze %dma_wait3A_205 : memref<1x2048xf32, #tpu.memory_space<vmem_shared>> -> memref<2048xf32, #tpu.memory_space<vmem_shared>>
      %dma_wait3A_207 = tpu.memref_slice %arg17[%add3A_59, %add3A_119] : memref<8x65536xf32, #tpu.memory_space<vmem_shared>> -> memref<1x2048xf32, #tpu.memory_space<vmem_shared>>
      %dma_wait3A_208 = tpu.memref_squeeze %dma_wait3A_207 : memref<1x2048xf32, #tpu.memory_space<vmem_shared>> -> memref<2048xf32, #tpu.memory_space<vmem_shared>>
      tpu.wait_dma2 semaphore(%run_scoped3A : memref<!tpu.dma_semaphore, #tpu.memory_space<semaphore_mem>>) src(%arg16 : memref<2048xf32, #tpu.memory_space<vmem>>) dst(%dma_wait3A_208 : memref<2048xf32, #tpu.memory_space<vmem_shared>>)
      tpu.yield
    }) : () -> ()
    %mul3A_120 = arith.constant 16384 : i32
    %mul3A_121 = arith.muli %select_n3A_46, %mul3A_120 : i32
    %add3A_122 = arith.constant 14336 : i32
    %add3A_123 = arith.addi %mul3A_121, %add3A_122 : i32
    "tpu.region"() ({
      %run_scoped3A = tpu.sem_alloc : memref<!tpu.dma_semaphore, #tpu.memory_space<semaphore_mem>>
      %dma_start3A_201 = tpu.memref_slice %arg17[%add3A_59, %add3A_123] : memref<8x65536xf32, #tpu.memory_space<vmem_shared>> -> memref<1x2048xf32, #tpu.memory_space<vmem_shared>>
      %dma_start3A_202 = tpu.memref_squeeze %dma_start3A_201 : memref<1x2048xf32, #tpu.memory_space<vmem_shared>> -> memref<2048xf32, #tpu.memory_space<vmem_shared>>
      %dma_start3A_203 = tpu.memref_slice %arg17[%add3A_59, %add3A_123] : memref<8x65536xf32, #tpu.memory_space<vmem_shared>> -> memref<1x2048xf32, #tpu.memory_space<vmem_shared>>
      %dma_start3A_204 = tpu.memref_squeeze %dma_start3A_203 : memref<1x2048xf32, #tpu.memory_space<vmem_shared>> -> memref<2048xf32, #tpu.memory_space<vmem_shared>>
      tpu.enqueue_dma source(%arg16 : memref<2048xf32, #tpu.memory_space<vmem>>) target(%dma_start3A_204 : memref<2048xf32, #tpu.memory_space<vmem_shared>>) target_semaphore(%run_scoped3A : memref<!tpu.dma_semaphore, #tpu.memory_space<semaphore_mem>>)
      %dma_wait3A_205 = tpu.memref_slice %arg17[%add3A_59, %add3A_123] : memref<8x65536xf32, #tpu.memory_space<vmem_shared>> -> memref<1x2048xf32, #tpu.memory_space<vmem_shared>>
      %dma_wait3A_206 = tpu.memref_squeeze %dma_wait3A_205 : memref<1x2048xf32, #tpu.memory_space<vmem_shared>> -> memref<2048xf32, #tpu.memory_space<vmem_shared>>
      %dma_wait3A_207 = tpu.memref_slice %arg17[%add3A_59, %add3A_123] : memref<8x65536xf32, #tpu.memory_space<vmem_shared>> -> memref<1x2048xf32, #tpu.memory_space<vmem_shared>>
      %dma_wait3A_208 = tpu.memref_squeeze %dma_wait3A_207 : memref<1x2048xf32, #tpu.memory_space<vmem_shared>> -> memref<2048xf32, #tpu.memory_space<vmem_shared>>
      tpu.wait_dma2 semaphore(%run_scoped3A : memref<!tpu.dma_semaphore, #tpu.memory_space<semaphore_mem>>) src(%arg16 : memref<2048xf32, #tpu.memory_space<vmem>>) dst(%dma_wait3A_208 : memref<2048xf32, #tpu.memory_space<vmem_shared>>)
      tpu.yield
    }) : () -> ()
    %barrier3A = arith.constant 0 : index
    tpu.barrier barrier_id(%barrier3A)
    %add3A_124 = arith.constant 0 : i32
    %add3A_125 = arith.addi %mul3A_48, %add3A_124 : i32
    %mul3A_126 = arith.constant 1024 : i32
    %mul3A_127 = arith.muli %add3A_125, %mul3A_126 : i32
    %dma_start3A_128 = arith.constant 0 : i32
    %dma_start3A_129 = arith.constant 0 : i32
    %dma_start3A_130 = tpu.memref_slice %arg8[%dma_start3A_129] : memref<3072xi32, #tpu.memory_space<vmem>> -> memref<1024xi32, #tpu.memory_space<vmem>>
    %dma_start3A_131 = tpu.memref_slice %arg3[%dma_start3A_128, %mul3A_127] : memref<1x2097152xi32, #tpu.memory_space<hbm>> -> memref<1x1024xi32, #tpu.memory_space<hbm>>
    %dma_start3A_132 = tpu.memref_squeeze %dma_start3A_131 : memref<1x1024xi32, #tpu.memory_space<hbm>> -> memref<1024xi32, #tpu.memory_space<hbm>>
    %dma_start3A_133 = arith.constant 0 : i32
    %dma_start3A_134 = tpu.memref_slice %arg8[%dma_start3A_133] : memref<3072xi32, #tpu.memory_space<vmem>> -> memref<1024xi32, #tpu.memory_space<vmem>>
    %dma_start3A_135 = tpu.memref_slice %arg3[%dma_start3A_128, %mul3A_127] : memref<1x2097152xi32, #tpu.memory_space<hbm>> -> memref<1x1024xi32, #tpu.memory_space<hbm>>
    %dma_start3A_136 = tpu.memref_squeeze %dma_start3A_135 : memref<1x1024xi32, #tpu.memory_space<hbm>> -> memref<1024xi32, #tpu.memory_space<hbm>>
    tpu.enqueue_dma source(%dma_start3A_136 : memref<1024xi32, #tpu.memory_space<hbm>>) target(%dma_start3A_134 : memref<1024xi32, #tpu.memory_space<vmem>>) target_semaphore(%arg19 : memref<!tpu.dma_semaphore, #tpu.memory_space<semaphore_mem>>)
    %dma_start3A_137 = arith.constant 1024 : i32
    %dma_start3A_138 = tpu.memref_slice %arg8[%dma_start3A_137] : memref<3072xi32, #tpu.memory_space<vmem>> -> memref<1024xi32, #tpu.memory_space<vmem>>
    %dma_start3A_139 = tpu.memref_slice %arg4[%mul3A_127] : memref<2097152xi32, #tpu.memory_space<hbm>> -> memref<1024xi32, #tpu.memory_space<hbm>>
    %dma_start3A_140 = arith.constant 1024 : i32
    %dma_start3A_141 = tpu.memref_slice %arg8[%dma_start3A_140] : memref<3072xi32, #tpu.memory_space<vmem>> -> memref<1024xi32, #tpu.memory_space<vmem>>
    %dma_start3A_142 = tpu.memref_slice %arg4[%mul3A_127] : memref<2097152xi32, #tpu.memory_space<hbm>> -> memref<1024xi32, #tpu.memory_space<hbm>>
    tpu.enqueue_dma source(%dma_start3A_142 : memref<1024xi32, #tpu.memory_space<hbm>>) target(%dma_start3A_141 : memref<1024xi32, #tpu.memory_space<vmem>>) target_semaphore(%arg19 : memref<!tpu.dma_semaphore, #tpu.memory_space<semaphore_mem>>)
    %dma_start3A_143 = arith.constant 0 : i32
    %dma_start3A_144 = arith.constant 2048 : i32
    %dma_start3A_145 = tpu.memref_slice %arg8[%dma_start3A_144] : memref<3072xi32, #tpu.memory_space<vmem>> -> memref<1024xi32, #tpu.memory_space<vmem>>
    %dma_start3A_146 = tpu.memref_slice %arg5[%dma_start3A_143, %mul3A_127] : memref<1x2097152xi32, #tpu.memory_space<hbm>> -> memref<1x1024xi32, #tpu.memory_space<hbm>>
    %dma_start3A_147 = tpu.memref_squeeze %dma_start3A_146 : memref<1x1024xi32, #tpu.memory_space<hbm>> -> memref<1024xi32, #tpu.memory_space<hbm>>
    %dma_start3A_148 = arith.constant 2048 : i32
    %dma_start3A_149 = tpu.memref_slice %arg8[%dma_start3A_148] : memref<3072xi32, #tpu.memory_space<vmem>> -> memref<1024xi32, #tpu.memory_space<vmem>>
    %dma_start3A_150 = tpu.memref_slice %arg5[%dma_start3A_143, %mul3A_127] : memref<1x2097152xi32, #tpu.memory_space<hbm>> -> memref<1x1024xi32, #tpu.memory_space<hbm>>
    %dma_start3A_151 = tpu.memref_squeeze %dma_start3A_150 : memref<1x1024xi32, #tpu.memory_space<hbm>> -> memref<1024xi32, #tpu.memory_space<hbm>>
    tpu.enqueue_dma source(%dma_start3A_151 : memref<1024xi32, #tpu.memory_space<hbm>>) target(%dma_start3A_149 : memref<1024xi32, #tpu.memory_space<vmem>>) target_semaphore(%arg19 : memref<!tpu.dma_semaphore, #tpu.memory_space<semaphore_mem>>)
    %add3A_152 = arith.constant 1 : i32
    %add3A_153 = arith.addi %mul3A_48, %add3A_152 : i32
    %mul3A_154 = arith.constant 1024 : i32
    %mul3A_155 = arith.muli %add3A_153, %mul3A_154 : i32
    %dma_start3A_156 = arith.constant 0 : i32
    %dma_start3A_157 = arith.constant 0 : i32
    %dma_start3A_158 = tpu.memref_slice %arg12[%dma_start3A_157] : memref<3072xi32, #tpu.memory_space<vmem>> -> memref<1024xi32, #tpu.memory_space<vmem>>
    %dma_start3A_159 = tpu.memref_slice %arg3[%dma_start3A_156, %mul3A_155] : memref<1x2097152xi32, #tpu.memory_space<hbm>> -> memref<1x1024xi32, #tpu.memory_space<hbm>>
    %dma_start3A_160 = tpu.memref_squeeze %dma_start3A_159 : memref<1x1024xi32, #tpu.memory_space<hbm>> -> memref<1024xi32, #tpu.memory_space<hbm>>
    %dma_start3A_161 = arith.constant 0 : i32
    %dma_start3A_162 = tpu.memref_slice %arg12[%dma_start3A_161] : memref<3072xi32, #tpu.memory_space<vmem>> -> memref<1024xi32, #tpu.memory_space<vmem>>
    %dma_start3A_163 = tpu.memref_slice %arg3[%dma_start3A_156, %mul3A_155] : memref<1x2097152xi32, #tpu.memory_space<hbm>> -> memref<1x1024xi32, #tpu.memory_space<hbm>>
    %dma_start3A_164 = tpu.memref_squeeze %dma_start3A_163 : memref<1x1024xi32, #tpu.memory_space<hbm>> -> memref<1024xi32, #tpu.memory_space<hbm>>
    tpu.enqueue_dma source(%dma_start3A_164 : memref<1024xi32, #tpu.memory_space<hbm>>) target(%dma_start3A_162 : memref<1024xi32, #tpu.memory_space<vmem>>) target_semaphore(%arg20 : memref<!tpu.dma_semaphore, #tpu.memory_space<semaphore_mem>>)
    %dma_start3A_165 = arith.constant 1024 : i32
    %dma_start3A_166 = tpu.memref_slice %arg12[%dma_start3A_165] : memref<3072xi32, #tpu.memory_space<vmem>> -> memref<1024xi32, #tpu.memory_space<vmem>>
    %dma_start3A_167 = tpu.memref_slice %arg4[%mul3A_155] : memref<2097152xi32, #tpu.memory_space<hbm>> -> memref<1024xi32, #tpu.memory_space<hbm>>
    %dma_start3A_168 = arith.constant 1024 : i32
    %dma_start3A_169 = tpu.memref_slice %arg12[%dma_start3A_168] : memref<3072xi32, #tpu.memory_space<vmem>> -> memref<1024xi32, #tpu.memory_space<vmem>>
    %dma_start3A_170 = tpu.memref_slice %arg4[%mul3A_155] : memref<2097152xi32, #tpu.memory_space<hbm>> -> memref<1024xi32, #tpu.memory_space<hbm>>
    tpu.enqueue_dma source(%dma_start3A_170 : memref<1024xi32, #tpu.memory_space<hbm>>) target(%dma_start3A_169 : memref<1024xi32, #tpu.memory_space<vmem>>) target_semaphore(%arg20 : memref<!tpu.dma_semaphore, #tpu.memory_space<semaphore_mem>>)
    %dma_start3A_171 = arith.constant 0 : i32
    %dma_start3A_172 = arith.constant 2048 : i32
    %dma_start3A_173 = tpu.memref_slice %arg12[%dma_start3A_172] : memref<3072xi32, #tpu.memory_space<vmem>> -> memref<1024xi32, #tpu.memory_space<vmem>>
    %dma_start3A_174 = tpu.memref_slice %arg5[%dma_start3A_171, %mul3A_155] : memref<1x2097152xi32, #tpu.memory_space<hbm>> -> memref<1x1024xi32, #tpu.memory_space<hbm>>
    %dma_start3A_175 = tpu.memref_squeeze %dma_start3A_174 : memref<1x1024xi32, #tpu.memory_space<hbm>> -> memref<1024xi32, #tpu.memory_space<hbm>>
    %dma_start3A_176 = arith.constant 2048 : i32
    %dma_start3A_177 = tpu.memref_slice %arg12[%dma_start3A_176] : memref<3072xi32, #tpu.memory_space<vmem>> -> memref<1024xi32, #tpu.memory_space<vmem>>
    %dma_start3A_178 = tpu.memref_slice %arg5[%dma_start3A_171, %mul3A_155] : memref<1x2097152xi32, #tpu.memory_space<hbm>> -> memref<1x1024xi32, #tpu.memory_space<hbm>>
    %dma_start3A_179 = tpu.memref_squeeze %dma_start3A_178 : memref<1x1024xi32, #tpu.memory_space<hbm>> -> memref<1024xi32, #tpu.memory_space<hbm>>
    tpu.enqueue_dma source(%dma_start3A_179 : memref<1024xi32, #tpu.memory_space<hbm>>) target(%dma_start3A_177 : memref<1024xi32, #tpu.memory_space<vmem>>) target_semaphore(%arg20 : memref<!tpu.dma_semaphore, #tpu.memory_space<semaphore_mem>>)
    %dma_wait3A = arith.constant 0 : i32
    %dma_wait3A_180 = tpu.memref_slice %arg2[%select_n3A, %dma_wait3A] : memref<4x65536xi32, #tpu.memory_space<hbm>> -> memref<1x65536xi32, #tpu.memory_space<hbm>>
    %dma_wait3A_181 = tpu.memref_squeeze %dma_wait3A_180 : memref<1x65536xi32, #tpu.memory_space<hbm>> -> memref<65536xi32, #tpu.memory_space<hbm>>
    %dma_wait3A_182 = arith.constant 0 : i32
    %dma_wait3A_183 = tpu.memref_slice %arg2[%select_n3A, %dma_wait3A_182] : memref<4x65536xi32, #tpu.memory_space<hbm>> -> memref<1x65536xi32, #tpu.memory_space<hbm>>
    %dma_wait3A_184 = tpu.memref_squeeze %dma_wait3A_183 : memref<1x65536xi32, #tpu.memory_space<hbm>> -> memref<65536xi32, #tpu.memory_space<hbm>>
    tpu.wait_dma2 semaphore(%arg18 : memref<!tpu.dma_semaphore, #tpu.memory_space<semaphore_mem>>) src(%dma_wait3A_184 : memref<65536xi32, #tpu.memory_space<hbm>>) dst(%arg7 : memref<65536xi32, #tpu.memory_space<vmem>>)
    %scan3A_185 = arith.constant 0 : i32
    %scan3A_186 = arith.constant 128 : i32
    %scan3A_187 = arith.addi %scan3A_185, %scan3A_186 : i32
    %scan3A_188 = arith.constant 1 : i32
    scf.for %scan3A_201 = %scan3A_185 to %scan3A_187 step %scan3A_188  : i32 {
      %mul3A_202 = arith.constant 2 : i32
      %mul3A_203 = arith.muli %scan3A_201, %mul3A_202 : i32
      %add3A_204 = arith.constant 0 : i32
      %add3A_205 = arith.addi %add3A_204, %mul3A_203 : i32
      %dma_wait3A_206 = arith.constant 0 : i32
      %dma_wait3A_207 = arith.constant 0 : i32
      %dma_wait3A_208 = tpu.memref_slice %arg3[%dma_wait3A_206, %dma_wait3A_207] : memref<1x2097152xi32, #tpu.memory_space<hbm>> -> memref<1x3072xi32, #tpu.memory_space<hbm>>
      %dma_wait3A_209 = tpu.memref_squeeze %dma_wait3A_208 : memref<1x3072xi32, #tpu.memory_space<hbm>> -> memref<3072xi32, #tpu.memory_space<hbm>>
      %dma_wait3A_210 = arith.constant 0 : i32
      %dma_wait3A_211 = tpu.memref_slice %arg3[%dma_wait3A_206, %dma_wait3A_210] : memref<1x2097152xi32, #tpu.memory_space<hbm>> -> memref<1x3072xi32, #tpu.memory_space<hbm>>
      %dma_wait3A_212 = tpu.memref_squeeze %dma_wait3A_211 : memref<1x3072xi32, #tpu.memory_space<hbm>> -> memref<3072xi32, #tpu.memory_space<hbm>>
      tpu.wait_dma2 semaphore(%arg19 : memref<!tpu.dma_semaphore, #tpu.memory_space<semaphore_mem>>) src(%dma_wait3A_212 : memref<3072xi32, #tpu.memory_space<hbm>>) dst(%arg8 : memref<3072xi32, #tpu.memory_space<vmem>>)
      %add3A_213 = arith.constant 0 : i32
      %add3A_214 = arith.addi %add3A_205, %add3A_213 : i32
      %ge3A = arith.constant 2 : i32
      %ge3A_215 = arith.cmpi sge, %add3A_214, %ge3A : i32
      %convert_element_type3A = arith.extui %ge3A_215 : i1 to i32
      %cond3A = arith.constant 0 : i32
      %cond3A_216 = arith.cmpi ne, %convert_element_type3A, %cond3A : i32
      scf.if %cond3A_216 {
      } else {
      }
      %parallel_loop3A = arith.constant 0 : i32
      %parallel_loop3A_217 = arith.constant 1024 : i32
      %parallel_loop3A_218 = arith.constant 16 : i32
      scf.for %parallel_loop3A_254 = %parallel_loop3A to %parallel_loop3A_217 step %parallel_loop3A_218  : i32 {
        %parallel_loop3A_255 = arith.index_cast %parallel_loop3A_254 : i32 to index
        %parallel_loop3A_256 = tpu.vector_load %arg8[%parallel_loop3A_255] {strides = array<i32>} : memref<3072xi32, #tpu.memory_space<vmem>>, vector<16xi32>,
        %parallel_loop3A_257 = arith.constant 1024 : i32
        %parallel_loop3A_258 = arith.addi %parallel_loop3A_257, %parallel_loop3A_254 : i32
        %parallel_loop3A_259 = arith.index_cast %parallel_loop3A_258 : i32 to index
        %parallel_loop3A_260 = tpu.vector_load %arg8[%parallel_loop3A_259] {strides = array<i32>} : memref<3072xi32, #tpu.memory_space<vmem>>, vector<16xi32>,
        %parallel_loop3A_261 = arith.constant 2048 : i32
        %parallel_loop3A_262 = arith.addi %parallel_loop3A_261, %parallel_loop3A_254 : i32
        %parallel_loop3A_263 = arith.index_cast %parallel_loop3A_262 : i32 to index
        %parallel_loop3A_264 = tpu.vector_load %arg8[%parallel_loop3A_263] {strides = array<i32>} : memref<3072xi32, #tpu.memory_space<vmem>>, vector<16xi32>,
        %parallel_loop3A_265 = arith.constant 65535 : i32
        %parallel_loop3A_266 = vector.broadcast %parallel_loop3A_265 : i32 to vector<16xi32>
        %parallel_loop3A_267 = arith.andi %parallel_loop3A_256, %parallel_loop3A_266 : vector<16xi32>
        %parallel_loop3A_268 = tpu.vector_load_idx %arg7[%parallel_loop3A_267] : memref<65536xi32, #tpu.memory_space<vmem>>[vector<16xi32>], vector<16xi32>,
        %parallel_loop3A_269 = arith.constant 16 : i32
        %parallel_loop3A_270 = vector.broadcast %parallel_loop3A_269 : i32 to vector<16xi32>
        %parallel_loop3A_271 = arith.shrui %parallel_loop3A_256, %parallel_loop3A_270 : vector<16xi32>
        %parallel_loop3A_272 = tpu.vector_load_idx %arg7[%parallel_loop3A_271] : memref<65536xi32, #tpu.memory_space<vmem>>[vector<16xi32>], vector<16xi32>,
        %parallel_loop3A_273 = arith.constant 16 : i32
        %parallel_loop3A_274 = vector.broadcast %parallel_loop3A_273 : i32 to vector<16xi32>
        %parallel_loop3A_275 = arith.shli %parallel_loop3A_260, %parallel_loop3A_274 : vector<16xi32>
        %parallel_loop3A_276 = vector.bitcast %parallel_loop3A_275 : vector<16xi32> to vector<16xf32>
        %parallel_loop3A_277 = arith.constant -65536 : i32
        %parallel_loop3A_278 = vector.broadcast %parallel_loop3A_277 : i32 to vector<16xi32>
        %parallel_loop3A_279 = arith.andi %parallel_loop3A_260, %parallel_loop3A_278 : vector<16xi32>
        %parallel_loop3A_280 = vector.bitcast %parallel_loop3A_279 : vector<16xi32> to vector<16xf32>
        %parallel_loop3A_281 = arith.constant 16 : i32
        %parallel_loop3A_282 = vector.broadcast %parallel_loop3A_281 : i32 to vector<16xi32>
        %parallel_loop3A_283 = arith.shli %parallel_loop3A_268, %parallel_loop3A_282 : vector<16xi32>
        %parallel_loop3A_284 = vector.bitcast %parallel_loop3A_283 : vector<16xi32> to vector<16xf32>
        %parallel_loop3A_285 = arith.constant -65536 : i32
        %parallel_loop3A_286 = vector.broadcast %parallel_loop3A_285 : i32 to vector<16xi32>
        %parallel_loop3A_287 = arith.andi %parallel_loop3A_268, %parallel_loop3A_286 : vector<16xi32>
        %parallel_loop3A_288 = vector.bitcast %parallel_loop3A_287 : vector<16xi32> to vector<16xf32>
        %parallel_loop3A_289 = arith.constant 16 : i32
        %parallel_loop3A_290 = vector.broadcast %parallel_loop3A_289 : i32 to vector<16xi32>
        %parallel_loop3A_291 = arith.shli %parallel_loop3A_272, %parallel_loop3A_290 : vector<16xi32>
        %parallel_loop3A_292 = vector.bitcast %parallel_loop3A_291 : vector<16xi32> to vector<16xf32>
        %parallel_loop3A_293 = arith.constant -65536 : i32
        %parallel_loop3A_294 = vector.broadcast %parallel_loop3A_293 : i32 to vector<16xi32>
        %parallel_loop3A_295 = arith.andi %parallel_loop3A_272, %parallel_loop3A_294 : vector<16xi32>
        %parallel_loop3A_296 = vector.bitcast %parallel_loop3A_295 : vector<16xi32> to vector<16xf32>
        %parallel_loop3A_297 = arith.mulf %parallel_loop3A_284, %parallel_loop3A_276 : vector<16xf32>
        %parallel_loop3A_298 = arith.index_cast %parallel_loop3A_254 : i32 to index
        %parallel_loop3A_299 = tpu.vector_load %arg10[%parallel_loop3A_298] {strides = array<i32>} : memref<2048xf32, #tpu.memory_space<vmem>>, vector<16xf32>,
        tpu.vector_store %arg10[%parallel_loop3A_298], %parallel_loop3A_297 {strides = array<i32>} : memref<2048xf32, #tpu.memory_space<vmem>>, vector<16xf32>,
        %parallel_loop3A_300 = arith.mulf %parallel_loop3A_292, %parallel_loop3A_280 : vector<16xf32>
        %parallel_loop3A_301 = arith.constant 1024 : i32
        %parallel_loop3A_302 = arith.addi %parallel_loop3A_301, %parallel_loop3A_254 : i32
        %parallel_loop3A_303 = arith.index_cast %parallel_loop3A_302 : i32 to index
        %parallel_loop3A_304 = tpu.vector_load %arg10[%parallel_loop3A_303] {strides = array<i32>} : memref<2048xf32, #tpu.memory_space<vmem>>, vector<16xf32>,
        tpu.vector_store %arg10[%parallel_loop3A_303], %parallel_loop3A_300 {strides = array<i32>} : memref<2048xf32, #tpu.memory_space<vmem>>, vector<16xf32>,
        %parallel_loop3A_305 = arith.mulf %parallel_loop3A_288, %parallel_loop3A_276 : vector<16xf32>
        %parallel_loop3A_306 = arith.index_cast %parallel_loop3A_254 : i32 to index
        %parallel_loop3A_307 = tpu.vector_load %arg11[%parallel_loop3A_306] {strides = array<i32>} : memref<2048xf32, #tpu.memory_space<vmem>>, vector<16xf32>,
        tpu.vector_store %arg11[%parallel_loop3A_306], %parallel_loop3A_305 {strides = array<i32>} : memref<2048xf32, #tpu.memory_space<vmem>>, vector<16xf32>,
        %parallel_loop3A_308 = arith.mulf %parallel_loop3A_296, %parallel_loop3A_280 : vector<16xf32>
        %parallel_loop3A_309 = arith.constant 1024 : i32
        %parallel_loop3A_310 = arith.addi %parallel_loop3A_309, %parallel_loop3A_254 : i32
        %parallel_loop3A_311 = arith.index_cast %parallel_loop3A_310 : i32 to index
        %parallel_loop3A_312 = tpu.vector_load %arg11[%parallel_loop3A_311] {strides = array<i32>} : memref<2048xf32, #tpu.memory_space<vmem>>, vector<16xf32>,
        tpu.vector_store %arg11[%parallel_loop3A_311], %parallel_loop3A_308 {strides = array<i32>} : memref<2048xf32, #tpu.memory_space<vmem>>, vector<16xf32>,
        %parallel_loop3A_313 = arith.constant 65535 : i32
        %parallel_loop3A_314 = vector.broadcast %parallel_loop3A_313 : i32 to vector<16xi32>
        %parallel_loop3A_315 = arith.andi %parallel_loop3A_264, %parallel_loop3A_314 : vector<16xi32>
        %parallel_loop3A_316 = arith.index_cast %parallel_loop3A_254 : i32 to index
        %parallel_loop3A_317 = tpu.vector_load %arg9[%parallel_loop3A_316] {strides = array<i32>} : memref<2048xi32, #tpu.memory_space<vmem>>, vector<16xi32>,
        tpu.vector_store %arg9[%parallel_loop3A_316], %parallel_loop3A_315 {strides = array<i32>} : memref<2048xi32, #tpu.memory_space<vmem>>, vector<16xi32>,
        %parallel_loop3A_318 = arith.constant 16 : i32
        %parallel_loop3A_319 = vector.broadcast %parallel_loop3A_318 : i32 to vector<16xi32>
        %parallel_loop3A_320 = arith.shrui %parallel_loop3A_264, %parallel_loop3A_319 : vector<16xi32>
        %parallel_loop3A_321 = arith.constant 1024 : i32
        %parallel_loop3A_322 = arith.addi %parallel_loop3A_321, %parallel_loop3A_254 : i32
        %parallel_loop3A_323 = arith.index_cast %parallel_loop3A_322 : i32 to index
        %parallel_loop3A_324 = tpu.vector_load %arg9[%parallel_loop3A_323] {strides = array<i32>} : memref<2048xi32, #tpu.memory_space<vmem>>, vector<16xi32>,
        tpu.vector_store %arg9[%parallel_loop3A_323], %parallel_loop3A_320 {strides = array<i32>} : memref<2048xi32, #tpu.memory_space<vmem>>, vector<16xi32>,
      } {sc.loop_unroll_factor = 8 : i64, sc.parallel_access}
      %add3A_219 = arith.constant 0 : i32
      %add3A_220 = arith.addi %add3A_205, %add3A_219 : i32
      %add3A_221 = arith.constant 2 : i32
      %add3A_222 = arith.addi %add3A_220, %add3A_221 : i32
      %lt3A_223 = arith.constant 256 : i32
      %lt3A_224 = arith.cmpi slt, %add3A_222, %lt3A_223 : i32
      %convert_element_type3A_225 = arith.extui %lt3A_224 : i1 to i32
      %cond3A_226 = arith.constant 0 : i32
      %cond3A_227 = arith.cmpi ne, %convert_element_type3A_225, %cond3A_226 : i32
      scf.if %cond3A_227 {
        %add3A_254 = arith.constant 0 : i32
        %add3A_255 = arith.addi %add3A_205, %add3A_254 : i32
        %add3A_256 = arith.constant 2 : i32
        %add3A_257 = arith.addi %add3A_255, %add3A_256 : i32
        %add3A_258 = arith.addi %mul3A_48, %add3A_257 : i32
        %mul3A_259 = arith.constant 1024 : i32
        %mul3A_260 = arith.muli %add3A_258, %mul3A_259 : i32
        %dma_start3A_261 = arith.constant 0 : i32
        %dma_start3A_262 = arith.constant 0 : i32
        %dma_start3A_263 = tpu.memref_slice %arg8[%dma_start3A_262] : memref<3072xi32, #tpu.memory_space<vmem>> -> memref<1024xi32, #tpu.memory_space<vmem>>
        %dma_start3A_264 = tpu.memref_slice %arg3[%dma_start3A_261, %mul3A_260] : memref<1x2097152xi32, #tpu.memory_space<hbm>> -> memref<1x1024xi32, #tpu.memory_space<hbm>>
        %dma_start3A_265 = tpu.memref_squeeze %dma_start3A_264 : memref<1x1024xi32, #tpu.memory_space<hbm>> -> memref<1024xi32, #tpu.memory_space<hbm>>
        %dma_start3A_266 = arith.constant 0 : i32
        %dma_start3A_267 = tpu.memref_slice %arg8[%dma_start3A_266] : memref<3072xi32, #tpu.memory_space<vmem>> -> memref<1024xi32, #tpu.memory_space<vmem>>
        %dma_start3A_268 = tpu.memref_slice %arg3[%dma_start3A_261, %mul3A_260] : memref<1x2097152xi32, #tpu.memory_space<hbm>> -> memref<1x1024xi32, #tpu.memory_space<hbm>>
        %dma_start3A_269 = tpu.memref_squeeze %dma_start3A_268 : memref<1x1024xi32, #tpu.memory_space<hbm>> -> memref<1024xi32, #tpu.memory_space<hbm>>
        tpu.enqueue_dma source(%dma_start3A_269 : memref<1024xi32, #tpu.memory_space<hbm>>) target(%dma_start3A_267 : memref<1024xi32, #tpu.memory_space<vmem>>) target_semaphore(%arg19 : memref<!tpu.dma_semaphore, #tpu.memory_space<semaphore_mem>>)
        %dma_start3A_270 = arith.constant 1024 : i32
        %dma_start3A_271 = tpu.memref_slice %arg8[%dma_start3A_270] : memref<3072xi32, #tpu.memory_space<vmem>> -> memref<1024xi32, #tpu.memory_space<vmem>>
        %dma_start3A_272 = tpu.memref_slice %arg4[%mul3A_260] : memref<2097152xi32, #tpu.memory_space<hbm>> -> memref<1024xi32, #tpu.memory_space<hbm>>
        %dma_start3A_273 = arith.constant 1024 : i32
        %dma_start3A_274 = tpu.memref_slice %arg8[%dma_start3A_273] : memref<3072xi32, #tpu.memory_space<vmem>> -> memref<1024xi32, #tpu.memory_space<vmem>>
        %dma_start3A_275 = tpu.memref_slice %arg4[%mul3A_260] : memref<2097152xi32, #tpu.memory_space<hbm>> -> memref<1024xi32, #tpu.memory_space<hbm>>
        tpu.enqueue_dma source(%dma_start3A_275 : memref<1024xi32, #tpu.memory_space<hbm>>) target(%dma_start3A_274 : memref<1024xi32, #tpu.memory_space<vmem>>) target_semaphore(%arg19 : memref<!tpu.dma_semaphore, #tpu.memory_space<semaphore_mem>>)
        %dma_start3A_276 = arith.constant 0 : i32
        %dma_start3A_277 = arith.constant 2048 : i32
        %dma_start3A_278 = tpu.memref_slice %arg8[%dma_start3A_277] : memref<3072xi32, #tpu.memory_space<vmem>> -> memref<1024xi32, #tpu.memory_space<vmem>>
        %dma_start3A_279 = tpu.memref_slice %arg5[%dma_start3A_276, %mul3A_260] : memref<1x2097152xi32, #tpu.memory_space<hbm>> -> memref<1x1024xi32, #tpu.memory_space<hbm>>
        %dma_start3A_280 = tpu.memref_squeeze %dma_start3A_279 : memref<1x1024xi32, #tpu.memory_space<hbm>> -> memref<1024xi32, #tpu.memory_space<hbm>>
        %dma_start3A_281 = arith.constant 2048 : i32
        %dma_start3A_282 = tpu.memref_slice %arg8[%dma_start3A_281] : memref<3072xi32, #tpu.memory_space<vmem>> -> memref<1024xi32, #tpu.memory_space<vmem>>
        %dma_start3A_283 = tpu.memref_slice %arg5[%dma_start3A_276, %mul3A_260] : memref<1x2097152xi32, #tpu.memory_space<hbm>> -> memref<1x1024xi32, #tpu.memory_space<hbm>>
        %dma_start3A_284 = tpu.memref_squeeze %dma_start3A_283 : memref<1x1024xi32, #tpu.memory_space<hbm>> -> memref<1024xi32, #tpu.memory_space<hbm>>
        tpu.enqueue_dma source(%dma_start3A_284 : memref<1024xi32, #tpu.memory_space<hbm>>) target(%dma_start3A_282 : memref<1024xi32, #tpu.memory_space<vmem>>) target_semaphore(%arg19 : memref<!tpu.dma_semaphore, #tpu.memory_space<semaphore_mem>>)
      } else {
      }
      %dma_wait3A_228 = arith.constant 0 : i32
      %dma_wait3A_229 = arith.constant 0 : i32
      %dma_wait3A_230 = tpu.memref_slice %arg3[%dma_wait3A_228, %dma_wait3A_229] : memref<1x2097152xi32, #tpu.memory_space<hbm>> -> memref<1x3072xi32, #tpu.memory_space<hbm>>
      %dma_wait3A_231 = tpu.memref_squeeze %dma_wait3A_230 : memref<1x3072xi32, #tpu.memory_space<hbm>> -> memref<3072xi32, #tpu.memory_space<hbm>>
      %dma_wait3A_232 = arith.constant 0 : i32
      %dma_wait3A_233 = tpu.memref_slice %arg3[%dma_wait3A_228, %dma_wait3A_232] : memref<1x2097152xi32, #tpu.memory_space<hbm>> -> memref<1x3072xi32, #tpu.memory_space<hbm>>
      %dma_wait3A_234 = tpu.memref_squeeze %dma_wait3A_233 : memref<1x3072xi32, #tpu.memory_space<hbm>> -> memref<3072xi32, #tpu.memory_space<hbm>>
      tpu.wait_dma2 semaphore(%arg20 : memref<!tpu.dma_semaphore, #tpu.memory_space<semaphore_mem>>) src(%dma_wait3A_234 : memref<3072xi32, #tpu.memory_space<hbm>>) dst(%arg12 : memref<3072xi32, #tpu.memory_space<vmem>>)
      %add3A_235 = arith.constant 1 : i32
      %add3A_236 = arith.addi %add3A_205, %add3A_235 : i32
      %ge3A_237 = arith.constant 2 : i32
      %ge3A_238 = arith.cmpi sge, %add3A_236, %ge3A_237 : i32
      %convert_element_type3A_239 = arith.extui %ge3A_238 : i1 to i32
      %cond3A_240 = arith.constant 0 : i32
      %cond3A_241 = arith.cmpi ne, %convert_element_type3A_239, %cond3A_240 : i32
      scf.if %cond3A_241 {
      } else {
      }
      %parallel_loop3A_242 = arith.constant 0 : i32
      %parallel_loop3A_243 = arith.constant 1024 : i32
      %parallel_loop3A_244 = arith.constant 16 : i32
      scf.for %parallel_loop3A_254 = %parallel_loop3A_242 to %parallel_loop3A_243 step %parallel_loop3A_244  : i32 {
        %parallel_loop3A_255 = arith.index_cast %parallel_loop3A_254 : i32 to index
        %parallel_loop3A_256 = tpu.vector_load %arg12[%parallel_loop3A_255] {strides = array<i32>} : memref<3072xi32, #tpu.memory_space<vmem>>, vector<16xi32>,
        %parallel_loop3A_257 = arith.constant 1024 : i32
        %parallel_loop3A_258 = arith.addi %parallel_loop3A_257, %parallel_loop3A_254 : i32
        %parallel_loop3A_259 = arith.index_cast %parallel_loop3A_258 : i32 to index
        %parallel_loop3A_260 = tpu.vector_load %arg12[%parallel_loop3A_259] {strides = array<i32>} : memref<3072xi32, #tpu.memory_space<vmem>>, vector<16xi32>,
        %parallel_loop3A_261 = arith.constant 2048 : i32
        %parallel_loop3A_262 = arith.addi %parallel_loop3A_261, %parallel_loop3A_254 : i32
        %parallel_loop3A_263 = arith.index_cast %parallel_loop3A_262 : i32 to index
        %parallel_loop3A_264 = tpu.vector_load %arg12[%parallel_loop3A_263] {strides = array<i32>} : memref<3072xi32, #tpu.memory_space<vmem>>, vector<16xi32>,
        %parallel_loop3A_265 = arith.constant 65535 : i32
        %parallel_loop3A_266 = vector.broadcast %parallel_loop3A_265 : i32 to vector<16xi32>
        %parallel_loop3A_267 = arith.andi %parallel_loop3A_256, %parallel_loop3A_266 : vector<16xi32>
        %parallel_loop3A_268 = tpu.vector_load_idx %arg7[%parallel_loop3A_267] : memref<65536xi32, #tpu.memory_space<vmem>>[vector<16xi32>], vector<16xi32>,
        %parallel_loop3A_269 = arith.constant 16 : i32
        %parallel_loop3A_270 = vector.broadcast %parallel_loop3A_269 : i32 to vector<16xi32>
        %parallel_loop3A_271 = arith.shrui %parallel_loop3A_256, %parallel_loop3A_270 : vector<16xi32>
        %parallel_loop3A_272 = tpu.vector_load_idx %arg7[%parallel_loop3A_271] : memref<65536xi32, #tpu.memory_space<vmem>>[vector<16xi32>], vector<16xi32>,
        %parallel_loop3A_273 = arith.constant 16 : i32
        %parallel_loop3A_274 = vector.broadcast %parallel_loop3A_273 : i32 to vector<16xi32>
        %parallel_loop3A_275 = arith.shli %parallel_loop3A_260, %parallel_loop3A_274 : vector<16xi32>
        %parallel_loop3A_276 = vector.bitcast %parallel_loop3A_275 : vector<16xi32> to vector<16xf32>
        %parallel_loop3A_277 = arith.constant -65536 : i32
        %parallel_loop3A_278 = vector.broadcast %parallel_loop3A_277 : i32 to vector<16xi32>
        %parallel_loop3A_279 = arith.andi %parallel_loop3A_260, %parallel_loop3A_278 : vector<16xi32>
        %parallel_loop3A_280 = vector.bitcast %parallel_loop3A_279 : vector<16xi32> to vector<16xf32>
        %parallel_loop3A_281 = arith.constant 16 : i32
        %parallel_loop3A_282 = vector.broadcast %parallel_loop3A_281 : i32 to vector<16xi32>
        %parallel_loop3A_283 = arith.shli %parallel_loop3A_268, %parallel_loop3A_282 : vector<16xi32>
        %parallel_loop3A_284 = vector.bitcast %parallel_loop3A_283 : vector<16xi32> to vector<16xf32>
        %parallel_loop3A_285 = arith.constant -65536 : i32
        %parallel_loop3A_286 = vector.broadcast %parallel_loop3A_285 : i32 to vector<16xi32>
        %parallel_loop3A_287 = arith.andi %parallel_loop3A_268, %parallel_loop3A_286 : vector<16xi32>
        %parallel_loop3A_288 = vector.bitcast %parallel_loop3A_287 : vector<16xi32> to vector<16xf32>
        %parallel_loop3A_289 = arith.constant 16 : i32
        %parallel_loop3A_290 = vector.broadcast %parallel_loop3A_289 : i32 to vector<16xi32>
        %parallel_loop3A_291 = arith.shli %parallel_loop3A_272, %parallel_loop3A_290 : vector<16xi32>
        %parallel_loop3A_292 = vector.bitcast %parallel_loop3A_291 : vector<16xi32> to vector<16xf32>
        %parallel_loop3A_293 = arith.constant -65536 : i32
        %parallel_loop3A_294 = vector.broadcast %parallel_loop3A_293 : i32 to vector<16xi32>
        %parallel_loop3A_295 = arith.andi %parallel_loop3A_272, %parallel_loop3A_294 : vector<16xi32>
        %parallel_loop3A_296 = vector.bitcast %parallel_loop3A_295 : vector<16xi32> to vector<16xf32>
        %parallel_loop3A_297 = arith.mulf %parallel_loop3A_284, %parallel_loop3A_276 : vector<16xf32>
        %parallel_loop3A_298 = arith.index_cast %parallel_loop3A_254 : i32 to index
        %parallel_loop3A_299 = tpu.vector_load %arg14[%parallel_loop3A_298] {strides = array<i32>} : memref<2048xf32, #tpu.memory_space<vmem>>, vector<16xf32>,
        tpu.vector_store %arg14[%parallel_loop3A_298], %parallel_loop3A_297 {strides = array<i32>} : memref<2048xf32, #tpu.memory_space<vmem>>, vector<16xf32>,
        %parallel_loop3A_300 = arith.mulf %parallel_loop3A_292, %parallel_loop3A_280 : vector<16xf32>
        %parallel_loop3A_301 = arith.constant 1024 : i32
        %parallel_loop3A_302 = arith.addi %parallel_loop3A_301, %parallel_loop3A_254 : i32
        %parallel_loop3A_303 = arith.index_cast %parallel_loop3A_302 : i32 to index
        %parallel_loop3A_304 = tpu.vector_load %arg14[%parallel_loop3A_303] {strides = array<i32>} : memref<2048xf32, #tpu.memory_space<vmem>>, vector<16xf32>,
        tpu.vector_store %arg14[%parallel_loop3A_303], %parallel_loop3A_300 {strides = array<i32>} : memref<2048xf32, #tpu.memory_space<vmem>>, vector<16xf32>,
        %parallel_loop3A_305 = arith.mulf %parallel_loop3A_288, %parallel_loop3A_276 : vector<16xf32>
        %parallel_loop3A_306 = arith.index_cast %parallel_loop3A_254 : i32 to index
        %parallel_loop3A_307 = tpu.vector_load %arg15[%parallel_loop3A_306] {strides = array<i32>} : memref<2048xf32, #tpu.memory_space<vmem>>, vector<16xf32>,
        tpu.vector_store %arg15[%parallel_loop3A_306], %parallel_loop3A_305 {strides = array<i32>} : memref<2048xf32, #tpu.memory_space<vmem>>, vector<16xf32>,
        %parallel_loop3A_308 = arith.mulf %parallel_loop3A_296, %parallel_loop3A_280 : vector<16xf32>
        %parallel_loop3A_309 = arith.constant 1024 : i32
        %parallel_loop3A_310 = arith.addi %parallel_loop3A_309, %parallel_loop3A_254 : i32
        %parallel_loop3A_311 = arith.index_cast %parallel_loop3A_310 : i32 to index
        %parallel_loop3A_312 = tpu.vector_load %arg15[%parallel_loop3A_311] {strides = array<i32>} : memref<2048xf32, #tpu.memory_space<vmem>>, vector<16xf32>,
        tpu.vector_store %arg15[%parallel_loop3A_311], %parallel_loop3A_308 {strides = array<i32>} : memref<2048xf32, #tpu.memory_space<vmem>>, vector<16xf32>,
        %parallel_loop3A_313 = arith.constant 65535 : i32
        %parallel_loop3A_314 = vector.broadcast %parallel_loop3A_313 : i32 to vector<16xi32>
        %parallel_loop3A_315 = arith.andi %parallel_loop3A_264, %parallel_loop3A_314 : vector<16xi32>
        %parallel_loop3A_316 = arith.index_cast %parallel_loop3A_254 : i32 to index
        %parallel_loop3A_317 = tpu.vector_load %arg13[%parallel_loop3A_316] {strides = array<i32>} : memref<2048xi32, #tpu.memory_space<vmem>>, vector<16xi32>,
        tpu.vector_store %arg13[%parallel_loop3A_316], %parallel_loop3A_315 {strides = array<i32>} : memref<2048xi32, #tpu.memory_space<vmem>>, vector<16xi32>,
        %parallel_loop3A_318 = arith.constant 16 : i32
        %parallel_loop3A_319 = vector.broadcast %parallel_loop3A_318 : i32 to vector<16xi32>
        %parallel_loop3A_320 = arith.shrui %parallel_loop3A_264, %parallel_loop3A_319 : vector<16xi32>
        %parallel_loop3A_321 = arith.constant 1024 : i32
        %parallel_loop3A_322 = arith.addi %parallel_loop3A_321, %parallel_loop3A_254 : i32
        %parallel_loop3A_323 = arith.index_cast %parallel_loop3A_322 : i32 to index
        %parallel_loop3A_324 = tpu.vector_load %arg13[%parallel_loop3A_323] {strides = array<i32>} : memref<2048xi32, #tpu.memory_space<vmem>>, vector<16xi32>,
        tpu.vector_store %arg13[%parallel_loop3A_323], %parallel_loop3A_320 {strides = array<i32>} : memref<2048xi32, #tpu.memory_space<vmem>>, vector<16xi32>,
      } {sc.loop_unroll_factor = 8 : i64, sc.parallel_access}
      %add3A_245 = arith.constant 1 : i32
      %add3A_246 = arith.addi %add3A_205, %add3A_245 : i32
      %add3A_247 = arith.constant 2 : i32
      %add3A_248 = arith.addi %add3A_246, %add3A_247 : i32
      %lt3A_249 = arith.constant 256 : i32
      %lt3A_250 = arith.cmpi slt, %add3A_248, %lt3A_249 : i32
      %convert_element_type3A_251 = arith.extui %lt3A_250 : i1 to i32
      %cond3A_252 = arith.constant 0 : i32
      %cond3A_253 = arith.cmpi ne, %convert_element_type3A_251, %cond3A_252 : i32
      scf.if %cond3A_253 {
        %add3A_254 = arith.constant 1 : i32
        %add3A_255 = arith.addi %add3A_205, %add3A_254 : i32
        %add3A_256 = arith.constant 2 : i32
        %add3A_257 = arith.addi %add3A_255, %add3A_256 : i32
        %add3A_258 = arith.addi %mul3A_48, %add3A_257 : i32
        %mul3A_259 = arith.constant 1024 : i32
        %mul3A_260 = arith.muli %add3A_258, %mul3A_259 : i32
        %dma_start3A_261 = arith.constant 0 : i32
        %dma_start3A_262 = arith.constant 0 : i32
        %dma_start3A_263 = tpu.memref_slice %arg12[%dma_start3A_262] : memref<3072xi32, #tpu.memory_space<vmem>> -> memref<1024xi32, #tpu.memory_space<vmem>>
        %dma_start3A_264 = tpu.memref_slice %arg3[%dma_start3A_261, %mul3A_260] : memref<1x2097152xi32, #tpu.memory_space<hbm>> -> memref<1x1024xi32, #tpu.memory_space<hbm>>
        %dma_start3A_265 = tpu.memref_squeeze %dma_start3A_264 : memref<1x1024xi32, #tpu.memory_space<hbm>> -> memref<1024xi32, #tpu.memory_space<hbm>>
        %dma_start3A_266 = arith.constant 0 : i32
        %dma_start3A_267 = tpu.memref_slice %arg12[%dma_start3A_266] : memref<3072xi32, #tpu.memory_space<vmem>> -> memref<1024xi32, #tpu.memory_space<vmem>>
        %dma_start3A_268 = tpu.memref_slice %arg3[%dma_start3A_261, %mul3A_260] : memref<1x2097152xi32, #tpu.memory_space<hbm>> -> memref<1x1024xi32, #tpu.memory_space<hbm>>
        %dma_start3A_269 = tpu.memref_squeeze %dma_start3A_268 : memref<1x1024xi32, #tpu.memory_space<hbm>> -> memref<1024xi32, #tpu.memory_space<hbm>>
        tpu.enqueue_dma source(%dma_start3A_269 : memref<1024xi32, #tpu.memory_space<hbm>>) target(%dma_start3A_267 : memref<1024xi32, #tpu.memory_space<vmem>>) target_semaphore(%arg20 : memref<!tpu.dma_semaphore, #tpu.memory_space<semaphore_mem>>)
        %dma_start3A_270 = arith.constant 1024 : i32
        %dma_start3A_271 = tpu.memref_slice %arg12[%dma_start3A_270] : memref<3072xi32, #tpu.memory_space<vmem>> -> memref<1024xi32, #tpu.memory_space<vmem>>
        %dma_start3A_272 = tpu.memref_slice %arg4[%mul3A_260] : memref<2097152xi32, #tpu.memory_space<hbm>> -> memref<1024xi32, #tpu.memory_space<hbm>>
        %dma_start3A_273 = arith.constant 1024 : i32
        %dma_start3A_274 = tpu.memref_slice %arg12[%dma_start3A_273] : memref<3072xi32, #tpu.memory_space<vmem>> -> memref<1024xi32, #tpu.memory_space<vmem>>
        %dma_start3A_275 = tpu.memref_slice %arg4[%mul3A_260] : memref<2097152xi32, #tpu.memory_space<hbm>> -> memref<1024xi32, #tpu.memory_space<hbm>>
        tpu.enqueue_dma source(%dma_start3A_275 : memref<1024xi32, #tpu.memory_space<hbm>>) target(%dma_start3A_274 : memref<1024xi32, #tpu.memory_space<vmem>>) target_semaphore(%arg20 : memref<!tpu.dma_semaphore, #tpu.memory_space<semaphore_mem>>)
        %dma_start3A_276 = arith.constant 0 : i32
        %dma_start3A_277 = arith.constant 2048 : i32
        %dma_start3A_278 = tpu.memref_slice %arg12[%dma_start3A_277] : memref<3072xi32, #tpu.memory_space<vmem>> -> memref<1024xi32, #tpu.memory_space<vmem>>
        %dma_start3A_279 = tpu.memref_slice %arg5[%dma_start3A_276, %mul3A_260] : memref<1x2097152xi32, #tpu.memory_space<hbm>> -> memref<1x1024xi32, #tpu.memory_space<hbm>>
        %dma_start3A_280 = tpu.memref_squeeze %dma_start3A_279 : memref<1x1024xi32, #tpu.memory_space<hbm>> -> memref<1024xi32, #tpu.memory_space<hbm>>
        %dma_start3A_281 = arith.constant 2048 : i32
        %dma_start3A_282 = tpu.memref_slice %arg12[%dma_start3A_281] : memref<3072xi32, #tpu.memory_space<vmem>> -> memref<1024xi32, #tpu.memory_space<vmem>>
        %dma_start3A_283 = tpu.memref_slice %arg5[%dma_start3A_276, %mul3A_260] : memref<1x2097152xi32, #tpu.memory_space<hbm>> -> memref<1x1024xi32, #tpu.memory_space<hbm>>
        %dma_start3A_284 = tpu.memref_squeeze %dma_start3A_283 : memref<1x1024xi32, #tpu.memory_space<hbm>> -> memref<1024xi32, #tpu.memory_space<hbm>>
        tpu.enqueue_dma source(%dma_start3A_284 : memref<1024xi32, #tpu.memory_space<hbm>>) target(%dma_start3A_282 : memref<1024xi32, #tpu.memory_space<vmem>>) target_semaphore(%arg20 : memref<!tpu.dma_semaphore, #tpu.memory_space<semaphore_mem>>)
      } else {
      }
    }
    %scan3A_189 = arith.constant 128 : i32
    %barrier3A_190 = arith.constant 0 : index
    tpu.barrier barrier_id(%barrier3A_190)
    %add3A_191 = arith.constant 4 : i32
    %add3A_192 = arith.addi %select_n3A, %add3A_191 : i32
    %mul3A_193 = arith.constant 16384 : i32
    %mul3A_194 = arith.muli %select_n3A_46, %mul3A_193 : i32
    %mul3A_195 = arith.constant 16384 : i32
    %mul3A_196 = arith.muli %select_n3A_46, %mul3A_195 : i32
    "tpu.region"() ({
      %run_scoped3A = tpu.sem_alloc : memref<!tpu.dma_semaphore, #tpu.memory_space<semaphore_mem>>
      %dma_start3A_201 = tpu.memref_slice %arg6[%arg0, %select_n3A, %mul3A_196] : memref<2x8x65536xf32, #tpu.memory_space<hbm>> -> memref<1x1x16384xf32, #tpu.memory_space<hbm>>
      %dma_start3A_202 = tpu.memref_squeeze %dma_start3A_201 : memref<1x1x16384xf32, #tpu.memory_space<hbm>> -> memref<16384xf32, #tpu.memory_space<hbm>>
      %dma_start3A_203 = tpu.memref_slice %arg17[%select_n3A, %mul3A_194] : memref<8x65536xf32, #tpu.memory_space<vmem_shared>> -> memref<1x16384xf32, #tpu.memory_space<vmem_shared>>
      %dma_start3A_204 = tpu.memref_squeeze %dma_start3A_203 : memref<1x16384xf32, #tpu.memory_space<vmem_shared>> -> memref<16384xf32, #tpu.memory_space<vmem_shared>>
      tpu.enqueue_dma source(%dma_start3A_204 : memref<16384xf32, #tpu.memory_space<vmem_shared>>) target(%dma_start3A_202 : memref<16384xf32, #tpu.memory_space<hbm>>) target_semaphore(%run_scoped3A : memref<!tpu.dma_semaphore, #tpu.memory_space<semaphore_mem>>)
      %dma_wait3A_205 = tpu.memref_slice %arg6[%arg0, %select_n3A, %mul3A_196] : memref<2x8x65536xf32, #tpu.memory_space<hbm>> -> memref<1x1x16384xf32, #tpu.memory_space<hbm>>
      %dma_wait3A_206 = tpu.memref_squeeze %dma_wait3A_205 : memref<1x1x16384xf32, #tpu.memory_space<hbm>> -> memref<16384xf32, #tpu.memory_space<hbm>>
      %dma_wait3A_207 = tpu.memref_slice %arg17[%select_n3A, %mul3A_194] : memref<8x65536xf32, #tpu.memory_space<vmem_shared>> -> memref<1x16384xf32, #tpu.memory_space<vmem_shared>>
      %dma_wait3A_208 = tpu.memref_squeeze %dma_wait3A_207 : memref<1x16384xf32, #tpu.memory_space<vmem_shared>> -> memref<16384xf32, #tpu.memory_space<vmem_shared>>
      tpu.wait_dma2 semaphore(%run_scoped3A : memref<!tpu.dma_semaphore, #tpu.memory_space<semaphore_mem>>) src(%dma_wait3A_208 : memref<16384xf32, #tpu.memory_space<vmem_shared>>) dst(%dma_wait3A_206 : memref<16384xf32, #tpu.memory_space<hbm>>)
      tpu.yield
    }) : () -> ()
    %mul3A_197 = arith.constant 16384 : i32
    %mul3A_198 = arith.muli %select_n3A_46, %mul3A_197 : i32
    %mul3A_199 = arith.constant 16384 : i32
    %mul3A_200 = arith.muli %select_n3A_46, %mul3A_199 : i32
    "tpu.region"() ({
      %run_scoped3A = tpu.sem_alloc : memref<!tpu.dma_semaphore, #tpu.memory_space<semaphore_mem>>
      %dma_start3A_201 = tpu.memref_slice %arg6[%arg0, %add3A_192, %mul3A_200] : memref<2x8x65536xf32, #tpu.memory_space<hbm>> -> memref<1x1x16384xf32, #tpu.memory_space<hbm>>
      %dma_start3A_202 = tpu.memref_squeeze %dma_start3A_201 : memref<1x1x16384xf32, #tpu.memory_space<hbm>> -> memref<16384xf32, #tpu.memory_space<hbm>>
      %dma_start3A_203 = tpu.memref_slice %arg17[%add3A_192, %mul3A_198] : memref<8x65536xf32, #tpu.memory_space<vmem_shared>> -> memref<1x16384xf32, #tpu.memory_space<vmem_shared>>
      %dma_start3A_204 = tpu.memref_squeeze %dma_start3A_203 : memref<1x16384xf32, #tpu.memory_space<vmem_shared>> -> memref<16384xf32, #tpu.memory_space<vmem_shared>>
      tpu.enqueue_dma source(%dma_start3A_204 : memref<16384xf32, #tpu.memory_space<vmem_shared>>) target(%dma_start3A_202 : memref<16384xf32, #tpu.memory_space<hbm>>) target_semaphore(%run_scoped3A : memref<!tpu.dma_semaphore, #tpu.memory_space<semaphore_mem>>)
      %dma_wait3A_205 = tpu.memref_slice %arg6[%arg0, %add3A_192, %mul3A_200] : memref<2x8x65536xf32, #tpu.memory_space<hbm>> -> memref<1x1x16384xf32, #tpu.memory_space<hbm>>
      %dma_wait3A_206 = tpu.memref_squeeze %dma_wait3A_205 : memref<1x1x16384xf32, #tpu.memory_space<hbm>> -> memref<16384xf32, #tpu.memory_space<hbm>>
      %dma_wait3A_207 = tpu.memref_slice %arg17[%add3A_192, %mul3A_198] : memref<8x65536xf32, #tpu.memory_space<vmem_shared>> -> memref<1x16384xf32, #tpu.memory_space<vmem_shared>>
      %dma_wait3A_208 = tpu.memref_squeeze %dma_wait3A_207 : memref<1x16384xf32, #tpu.memory_space<vmem_shared>> -> memref<16384xf32, #tpu.memory_space<vmem_shared>>
      tpu.wait_dma2 semaphore(%run_scoped3A : memref<!tpu.dma_semaphore, #tpu.memory_space<semaphore_mem>>) src(%dma_wait3A_208 : memref<16384xf32, #tpu.memory_space<vmem_shared>>) dst(%dma_wait3A_206 : memref<16384xf32, #tpu.memory_space<hbm>>)
      tpu.yield
    }) : () -> ()
    return
  }
}

module attributes {stable_mosaic.version = 14 : i64} {
  func.func @_xpack_body(%arg0: i32, %arg1: memref<8x8192xf32, #tpu.memory_space<vmem>>, %arg2: memref<4x8192xi32, #tpu.memory_space<vmem>>) attributes {dimension_semantics = [#tpu.dimension_semantics<arbitrary>], iteration_bounds = array<i64: 8>, scalar_prefetch = 0 : i64, scratch_operands = 0 : i64, tpu.core_type = #tpu.core_type<tc>, window_params = [{transform_indices = @transform_0, window_bounds = array<i64: 8, 8192>}, {transform_indices = @transform_1, window_bounds = array<i64: 4, 8192>}]} {
    %get3A = arith.constant 0 : index
    %get3A_0 = arith.constant 0 : index
    %get3A_1 = vector.load %arg1[%get3A, %get3A_0] : memref<8x8192xf32, #tpu.memory_space<vmem>>, vector<8x8192xf32>
    %bitcast_convert_type3A = tpu.bitcast %get3A_1 : vector<8x8192xf32> -> vector<8x8192xi32>
    %slice3A = vector.extract_strided_slice %bitcast_convert_type3A {offsets = [0, 0], sizes = [4, 8192], strides = [1, 1]} : vector<8x8192xi32> to vector<4x8192xi32>
    %add3A = arith.constant 32768 : i32
    %add3A_2 = vector.broadcast %add3A : i32 to vector<4x8192xi32>
    %add3A_3 = arith.addi %slice3A, %add3A_2 : vector<4x8192xi32>
    %shift_right_logical3A = arith.constant 16 : i32
    %shift_right_logical3A_4 = vector.broadcast %shift_right_logical3A : i32 to vector<4x8192xi32>
    %shift_right_logical3A_5 = arith.shrui %add3A_3, %shift_right_logical3A_4 : vector<4x8192xi32>
    %slice3A_6 = vector.extract_strided_slice %bitcast_convert_type3A {offsets = [4, 0], sizes = [4, 8192], strides = [1, 1]} : vector<8x8192xi32> to vector<4x8192xi32>
    %add3A_7 = arith.constant 32768 : i32
    %add3A_8 = vector.broadcast %add3A_7 : i32 to vector<4x8192xi32>
    %add3A_9 = arith.addi %slice3A_6, %add3A_8 : vector<4x8192xi32>
    %and3A = arith.constant -65536 : i32
    %and3A_10 = vector.broadcast %and3A : i32 to vector<4x8192xi32>
    %and3A_11 = arith.andi %add3A_9, %and3A_10 : vector<4x8192xi32>
    %or3A = arith.ori %shift_right_logical3A_5, %and3A_11 : vector<4x8192xi32>
    %swap3A = arith.constant 0 : index
    %swap3A_12 = arith.constant 0 : index
    %swap3A_13 = vector.load %arg2[%swap3A, %swap3A_12] : memref<4x8192xi32, #tpu.memory_space<vmem>>, vector<4x8192xi32>
    tpu.vector_store %arg2[%swap3A, %swap3A_12], %or3A {strides = array<i32>} : memref<4x8192xi32, #tpu.memory_space<vmem>>, vector<4x8192xi32>,
    return
  }
  func.func @transform_0(%arg0: i32) -> (i32, i32) {
    %c0_i32 = arith.constant 0 : i32
    %c0_i32_0 = arith.constant 0 : i32
    return %c0_i32, %arg0 : i32, i32
  }
  func.func @transform_1(%arg0: i32) -> (i32, i32) {
    %c0_i32 = arith.constant 0 : i32
    %c0_i32_0 = arith.constant 0 : i32
    return %c0_i32, %arg0 : i32, i32
  }
}

module attributes {stable_mosaic.version = 14 : i64} {
  func.func @_combine_body(%arg0: i32, %arg1: memref<2x8x8192xf32, #tpu.memory_space<vmem>>, %arg2: memref<1x8192xf32, #tpu.memory_space<vmem>>, %arg3: memref<8x8192xf32, #tpu.memory_space<vmem>>) attributes {dimension_semantics = [#tpu.dimension_semantics<arbitrary>], iteration_bounds = array<i64: 8>, scalar_prefetch = 0 : i64, scratch_operands = 0 : i64, tpu.core_type = #tpu.core_type<tc>, window_params = [{transform_indices = @transform_0, window_bounds = array<i64: 2, 8, 8192>}, {transform_indices = @transform_1, window_bounds = array<i64: 1, 8192>}, {transform_indices = @transform_2, window_bounds = array<i64: 8, 8192>}]} {
    %get3A = arith.constant 0 : index
    %get3A_0 = arith.constant 0 : index
    %get3A_1 = arith.constant 0 : index
    %get3A_2 = vector.load %arg1[%get3A, %get3A_0, %get3A_1] : memref<2x8x8192xf32, #tpu.memory_space<vmem>>, vector<1x8x8192xf32>
    %get3A_3 = vector.shape_cast %get3A_2 : vector<1x8x8192xf32> to vector<8x8192xf32>
    %get3A_4 = arith.constant 1 : index
    %get3A_5 = arith.constant 0 : index
    %get3A_6 = arith.constant 0 : index
    %get3A_7 = vector.load %arg1[%get3A_4, %get3A_5, %get3A_6] : memref<2x8x8192xf32, #tpu.memory_space<vmem>>, vector<1x8x8192xf32>
    %get3A_8 = vector.shape_cast %get3A_7 : vector<1x8x8192xf32> to vector<8x8192xf32>
    %add3A = arith.addf %get3A_3, %get3A_8 : vector<8x8192xf32>
    %get3A_9 = arith.constant 0 : index
    %get3A_10 = arith.constant 0 : index
    %get3A_11 = vector.load %arg2[%get3A_9, %get3A_10] : memref<1x8192xf32, #tpu.memory_space<vmem>>, vector<1x8192xf32>
    %add3A_12 = vector.broadcast %get3A_11 : vector<1x8192xf32> to vector<8x8192xf32>
    %add3A_13 = arith.addf %add3A, %add3A_12 : vector<8x8192xf32>
    %swap3A = arith.constant 0 : index
    %swap3A_14 = arith.constant 0 : index
    %swap3A_15 = vector.load %arg3[%swap3A, %swap3A_14] : memref<8x8192xf32, #tpu.memory_space<vmem>>, vector<8x8192xf32>
    tpu.vector_store %arg3[%swap3A, %swap3A_14], %add3A_13 {strides = array<i32>} : memref<8x8192xf32, #tpu.memory_space<vmem>>, vector<8x8192xf32>,
    return
  }
  func.func @transform_0(%arg0: i32) -> (i32, i32, i32) {
    %c0_i32 = arith.constant 0 : i32
    %c0_i32_0 = arith.constant 0 : i32
    %c0_i32_1 = arith.constant 0 : i32
    return %c0_i32, %c0_i32_0, %arg0 : i32, i32, i32
  }
  func.func @transform_1(%arg0: i32) -> (i32, i32) {
    %c0_i32 = arith.constant 0 : i32
    %c0_i32_0 = arith.constant 0 : i32
    return %c0_i32, %arg0 : i32, i32
  }
  func.func @transform_2(%arg0: i32) -> (i32, i32) {
    %c0_i32 = arith.constant 0 : i32
    %c0_i32_0 = arith.constant 0 : i32
    return %c0_i32, %arg0 : i32, i32
  }
}

module attributes {stable_mosaic.version = 14 : i64} {
  func.func @_pack_body(%arg0: i32, %arg1: memref<2x32768xi32, #tpu.memory_space<vmem>>, %arg2: memref<2x32768xi32, #tpu.memory_space<vmem>>, %arg3: memref<32768xf32, #tpu.memory_space<vmem>>, %arg4: memref<32768xf32, #tpu.memory_space<vmem>>, %arg5: memref<1x32768xi32, #tpu.memory_space<vmem>>, %arg6: memref<32768xi32, #tpu.memory_space<vmem>>, %arg7: memref<1x32768xi32, #tpu.memory_space<vmem>>) attributes {dimension_semantics = [#tpu.dimension_semantics<arbitrary>], iteration_bounds = array<i64: 64>, scalar_prefetch = 0 : i64, scratch_operands = 0 : i64, tpu.core_type = #tpu.core_type<tc>, window_params = [{transform_indices = @transform_0, window_bounds = array<i64: 2, 32768>}, {transform_indices = @transform_1, window_bounds = array<i64: 2, 32768>}, {transform_indices = @transform_2, window_bounds = array<i64: 32768>}, {transform_indices = @transform_3, window_bounds = array<i64: 32768>}, {transform_indices = @transform_4, window_bounds = array<i64: 1, 32768>}, {transform_indices = @transform_5, window_bounds = array<i64: 32768>}, {transform_indices = @transform_6, window_bounds = array<i64: 1, 32768>}]} {
    %get3A = arith.constant 0 : index
    %get3A_0 = arith.constant 0 : index
    %get3A_1 = vector.load %arg1[%get3A, %get3A_0] : memref<2x32768xi32, #tpu.memory_space<vmem>>, vector<2x32768xi32>
    %get3A_2 = arith.constant 0 : index
    %get3A_3 = arith.constant 0 : index
    %get3A_4 = vector.load %arg2[%get3A_2, %get3A_3] : memref<2x32768xi32, #tpu.memory_space<vmem>>, vector<2x32768xi32>
    %slice3A = vector.extract_strided_slice %get3A_1 {offsets = [0, 0], sizes = [1, 32768], strides = [1, 1]} : vector<2x32768xi32> to vector<1x32768xi32>
    %slice3A_5 = vector.extract_strided_slice %get3A_4 {offsets = [0, 0], sizes = [1, 32768], strides = [1, 1]} : vector<2x32768xi32> to vector<1x32768xi32>
    %shift_left3A = arith.constant 16 : i32
    %shift_left3A_6 = vector.broadcast %shift_left3A : i32 to vector<1x32768xi32>
    %shift_left3A_7 = arith.shli %slice3A_5, %shift_left3A_6 : vector<1x32768xi32>
    %or3A = arith.ori %slice3A, %shift_left3A_7 : vector<1x32768xi32>
    %swap3A = arith.constant 0 : index
    %swap3A_8 = arith.constant 0 : index
    %swap3A_9 = vector.load %arg5[%swap3A, %swap3A_8] : memref<1x32768xi32, #tpu.memory_space<vmem>>, vector<1x32768xi32>
    tpu.vector_store %arg5[%swap3A, %swap3A_8], %or3A {strides = array<i32>} : memref<1x32768xi32, #tpu.memory_space<vmem>>, vector<1x32768xi32>,
    %slice3A_10 = vector.extract_strided_slice %get3A_1 {offsets = [1, 0], sizes = [1, 32768], strides = [1, 1]} : vector<2x32768xi32> to vector<1x32768xi32>
    %slice3A_11 = vector.extract_strided_slice %get3A_4 {offsets = [1, 0], sizes = [1, 32768], strides = [1, 1]} : vector<2x32768xi32> to vector<1x32768xi32>
    %shift_left3A_12 = arith.constant 16 : i32
    %shift_left3A_13 = vector.broadcast %shift_left3A_12 : i32 to vector<1x32768xi32>
    %shift_left3A_14 = arith.shli %slice3A_11, %shift_left3A_13 : vector<1x32768xi32>
    %or3A_15 = arith.ori %slice3A_10, %shift_left3A_14 : vector<1x32768xi32>
    %swap3A_16 = arith.constant 0 : index
    %swap3A_17 = arith.constant 0 : index
    %swap3A_18 = vector.load %arg7[%swap3A_16, %swap3A_17] : memref<1x32768xi32, #tpu.memory_space<vmem>>, vector<1x32768xi32>
    tpu.vector_store %arg7[%swap3A_16, %swap3A_17], %or3A_15 {strides = array<i32>} : memref<1x32768xi32, #tpu.memory_space<vmem>>, vector<1x32768xi32>,
    %get3A_19 = arith.constant 0 : index
    %get3A_20 = vector.load %arg3[%get3A_19] : memref<32768xf32, #tpu.memory_space<vmem>>, vector<32768xf32>
    %bitcast_convert_type3A = tpu.bitcast %get3A_20 : vector<32768xf32> -> vector<32768xi32>
    %get3A_21 = arith.constant 0 : index
    %get3A_22 = vector.load %arg4[%get3A_21] : memref<32768xf32, #tpu.memory_space<vmem>>, vector<32768xf32>
    %bitcast_convert_type3A_23 = tpu.bitcast %get3A_22 : vector<32768xf32> -> vector<32768xi32>
    %add3A = arith.constant 32768 : i32
    %add3A_24 = vector.broadcast %add3A : i32 to vector<32768xi32>
    %add3A_25 = arith.addi %bitcast_convert_type3A, %add3A_24 : vector<32768xi32>
    %shift_right_logical3A = arith.constant 16 : i32
    %shift_right_logical3A_26 = vector.broadcast %shift_right_logical3A : i32 to vector<32768xi32>
    %shift_right_logical3A_27 = arith.shrui %add3A_25, %shift_right_logical3A_26 : vector<32768xi32>
    %add3A_28 = arith.constant 32768 : i32
    %add3A_29 = vector.broadcast %add3A_28 : i32 to vector<32768xi32>
    %add3A_30 = arith.addi %bitcast_convert_type3A_23, %add3A_29 : vector<32768xi32>
    %and3A = arith.constant -65536 : i32
    %and3A_31 = vector.broadcast %and3A : i32 to vector<32768xi32>
    %and3A_32 = arith.andi %add3A_30, %and3A_31 : vector<32768xi32>
    %or3A_33 = arith.ori %shift_right_logical3A_27, %and3A_32 : vector<32768xi32>
    %swap3A_34 = arith.constant 0 : index
    %swap3A_35 = vector.load %arg6[%swap3A_34] : memref<32768xi32, #tpu.memory_space<vmem>>, vector<32768xi32>
    tpu.vector_store %arg6[%swap3A_34], %or3A_33 {strides = array<i32>} : memref<32768xi32, #tpu.memory_space<vmem>>, vector<32768xi32>,
    return
  }
  func.func @transform_0(%arg0: i32) -> (i32, i32) {
    %c0_i32 = arith.constant 0 : i32
    %c0_i32_0 = arith.constant 0 : i32
    return %c0_i32, %arg0 : i32, i32
  }
  func.func @transform_1(%arg0: i32) -> (i32, i32) {
    %add3A = arith.constant 64 : i32
    %add3A_0 = arith.addi %arg0, %add3A : i32
    %c0_i32 = arith.constant 0 : i32
    %c0_i32_1 = arith.constant 0 : i32
    return %c0_i32, %add3A_0 : i32, i32
  }
  func.func @transform_2(%arg0: i32) -> i32 {
    %c0_i32 = arith.constant 0 : i32
    return %arg0 : i32
  }
  func.func @transform_3(%arg0: i32) -> i32 {
    %add3A = arith.constant 64 : i32
    %add3A_0 = arith.addi %arg0, %add3A : i32
    %c0_i32 = arith.constant 0 : i32
    return %add3A_0 : i32
  }
  func.func @transform_4(%arg0: i32) -> (i32, i32) {
    %c0_i32 = arith.constant 0 : i32
    %c0_i32_0 = arith.constant 0 : i32
    return %c0_i32, %arg0 : i32, i32
  }
  func.func @transform_5(%arg0: i32) -> i32 {
    %c0_i32 = arith.constant 0 : i32
    return %arg0 : i32
  }
  func.func @transform_6(%arg0: i32) -> (i32, i32) {
    %c0_i32 = arith.constant 0 : i32
    %c0_i32_0 = arith.constant 0 : i32
    return %c0_i32, %arg0 : i32, i32
  }
}

</mosaic_0001>

<sc_bundles>
// kernel: kernel.6.cloned.1.call-start
scs
__scs_entry_jumppad:
0x0: {  	(pc) =	sbr.rel $0x88, $3  }
0x1: {  	(tag) =	ssettag $0x0;
	lr =	simm.s32 $0x1  }
0x2: {  	[smem:$0x3F9D] =	sst lr;
	_ =	strace $0xD0000000  }
0x3: {  	_ = 	snop  }
0x4: {  	_ = 	snop  }
0x5: {  	_ = 	snop  }
0x6: {  	_ = 	snop  }
0x7: {  	_ = 	snop  }
__scs_overlays_trampoline_lowered:
0x8: {  	[smem:$0x3FAC] =	sst s0  }
0x9: {  	[smem:$0x3FAD] =	sst s1  }
0xa: {  	[smem:$0x3FAE] =	sst s2  }
0xb: {  	[smem:$0x3FAF] =	sst s3  }
0xc: {  	[smem:$0x3FB0] =	sst s4  }
0xd: {  	[smem:$0x3FB1] =	sst s5  }
0xe: {  	[smem:$0x3FB2] =	sst s6  }
0xf: {  	[smem:$0x3FB3] =	sst s7  }
0x10: {  	[smem:$0x3FB4] =	sst s8  }
0x11: {  	[smem:$0x3FB5] =	sst s9;
	s0 =	simm.s32 @!p0 $0x0  }
0x12: {  	s1 =	sld [smem:$0x3F9B];
	s0 =	simm.s32 @p0 $0x1  }
0x13: {  	[smem:$0x3FB6] =	sst s0;
	s0 =	simm.s32 @!p1 $0x0  }
0x14: {  	s2 =	sld [smem:$0x3F9A];
	s0 =	simm.s32 @p1 $0x1  }
0x15: {  	[smem:$0x3FB7] =	sst s0;
	s0 =	simm.s32 @!p2 $0x0  }
0x16: {  	s3 =	sld [smem:$0x3FDB];
	s0 =	simm.s32 @p2 $0x1  }
0x17: {  	s4 =	simm.s32 $0x1BF5;
	[smem:$0x3FB9] =	sst s0  }
0x18: {  	s0 =	sld [smem:$0x3F9C];
	_ =	swait.ge [sflag:s4], $0x0  }
0x19: {  	s7 =	sld [smem:$0x3F9D]  }
0x1a: {  	s8 =	sadd.s32 $0xFFFFE003, lr  }
0x1b: {  	s9 =	sadd.s32 $0xFFFFFEF7, lr;
	s5 =	simm.s32 $0xFFFFFFFF;
	p2 =	slt.u32 s8, $0xFFFFF086  }
0x1c: {  	p1 =	slt.u32 s9, $0xF7A;
	s5 =	simm.s32 @!p2 $0x0  }
0x1d: {  	s5 =	simm.s32 @p1 $0x1;
	p0 =	seq.s32 s7, s2  }
0x1e: {  	s7 =	smul.u32 @!p0 $0xF7A, s2;
	p2 =	seq.s32 @!p0 s5, $0x0  }
0x1f: {  	s9 =	smul.u32 $0xF7A, s1;
	s8 =	simm.s32 @!p0 $0x1BF5;
	p2 =	por !p2, p0  }
0x20: {  	[sflag:s8] =	ssyncset.s32 @!p0 $0xFFFFF086;
	s6 =	sadd.s32 @!p0 s3, s7;
	s7 =	simm.s32 @!p0 $0x108  }
0x21: {  	s3 =	sadd.s32 s3, s9;
	s6 =	sadd.s32 @!p0 $0x88, s6;
	s7 =	simm.s32 @p2 $0x1082  }
0x22: {  	[simem:s7], [sflag:s8] =	dma.local @!p0 [hbm:s6], $0xF7A  }
0x23: {  	s9 =	sor.u32 $0xD0000000, s2;
	s6 =	simm.s32 $0x108;
	_ =	swait.ge @!p0 [sflag:s8], $0x0  }
0x24: {  	s3 =	sadd.s32 $0x88, s3;
	s6 =	simm.s32 @!p1 $0x1082;
	[sflag:s4] =	ssyncset.s32 $0xFFFFF086  }
0x25: {  	[simem:s6], [sflag:s4] =	dma.local [hbm:s3], $0xF7A  }
0x26: {  	[smem:$0x3F9D] =	sst s1;
	(tag) =	ssettag s2;
	_ =	strace s9  }
0x27: {  	s1 =	sld [smem:$0x3FAD]  }
0x28: {  	s2 =	sld [smem:$0x3FAE]  }
0x29: {  	s4 =	sld [smem:$0x3FB0]  }
0x2a: {  	p0 =	seq.s32 s5, $0x0;
	s5 =	sld [smem:$0x3FB1]  }
0x2b: {  	s6 =	sld [smem:$0x3FB2]  }
0x2c: {  	s7 =	sld [smem:$0x3FB3]  }
0x2d: {  	s3 =	simm.s32 $0x108;
	s8 =	sld [smem:$0x3FB4]  }
0x2e: {  	s3 =	simm.s32 @!p0 $0x1082;
	s9 =	sld [smem:$0x3FB5]  }
0x2f: {  	lr =	sadd.s32 s0, s3;
	s0 =	sld [smem:$0x3FAC]  }
0x30: {  	s3 =	sld [smem:$0x3FAF]  }
0x31: {  	[smem:$0x3FB8] =	sst s10  }
0x32: {  	s10 =	sld [smem:$0x3FB6];
	_ =	sdelay $0x3  }
0x33: {  	p0 =	seq.s32 s10, $0x1;
	s10 =	sld [smem:$0x3FB8];
	_ =	sdelay $0x3  }
0x34: {  	[smem:$0x3FB8] =	sst s10  }
0x35: {  	s10 =	sld [smem:$0x3FB7];
	_ =	sdelay $0x3  }
0x36: {  	p1 =	seq.s32 s10, $0x1;
	s10 =	sld [smem:$0x3FB8];
	_ =	sdelay $0x3  }
0x37: {  	[smem:$0x3FB8] =	sst s10  }
0x38: {  	s10 =	sld [smem:$0x3FB9]  }
0x39: {  	_ = 	snop;
	(pc) =	sbr.ind lr, $3  }
0x3a: {  	_ = 	snop  }
0x3b: {  	_ = 	snop  }
0x3c: {  	p2 =	seq.s32 s10, $0x1;
	s10 =	sld [smem:$0x3FB8]  }
0x3d: {  	_ =	shalt  }
0x3e: {  	_ =	shalt  }
0x3f: {  	_ =	shalt  }
0x40: {  	_ =	shalt  }
0x41: {  	_ =	shalt  }
0x42: {  	_ =	shalt  }
0x43: {  	_ =	shalt  }
0x44: {  	_ =	shalt  }
0x45: {  	_ =	shalt  }
0x46: {  	_ =	shalt  }
0x47: {  	_ =	shalt  }
0x48: {  	_ =	shalt  }
0x49: {  	_ =	shalt  }
0x4a: {  	_ =	shalt  }
0x4b: {  	_ =	shalt  }
0x4c: {  	_ =	shalt  }
0x4d: {  	_ =	shalt  }
0x4e: {  	_ =	shalt  }
0x4f: {  	_ =	shalt  }
0x50: {  	_ =	shalt  }
0x51: {  	_ =	shalt  }
0x52: {  	_ =	shalt  }
0x53: {  	_ =	shalt  }
0x54: {  	_ =	shalt  }
0x55: {  	_ =	shalt  }
0x56: {  	_ =	shalt  }
0x57: {  	_ =	shalt  }
0x58: {  	_ =	shalt  }
0x59: {  	_ =	shalt  }
0x5a: {  	_ =	shalt  }
0x5b: {  	_ =	shalt  }
0x5c: {  	_ =	shalt  }
0x5d: {  	_ =	shalt  }
0x5e: {  	_ =	shalt  }
0x5f: {  	_ =	shalt  }
0x60: {  	_ =	shalt  }
0x61: {  	_ =	shalt  }
0x62: {  	_ =	shalt  }
0x63: {  	_ =	shalt  }
0x64: {  	_ =	shalt  }
0x65: {  	_ =	shalt  }
0x66: {  	_ =	shalt  }
0x67: {  	_ =	shalt  }
0x68: {  	_ =	shalt  }
0x69: {  	_ =	shalt  }
0x6a: {  	_ =	shalt  }
0x6b: {  	_ =	shalt  }
0x6c: {  	_ =	shalt  }
0x6d: {  	_ =	shalt  }
0x6e: {  	_ =	shalt  }
0x6f: {  	_ =	shalt  }
0x70: {  	_ =	shalt  }
0x71: {  	_ =	shalt  }
0x72: {  	_ =	shalt  }
0x73: {  	_ =	shalt  }
0x74: {  	_ =	shalt  }
0x75: {  	_ =	shalt  }
0x76: {  	_ =	shalt  }
0x77: {  	_ =	shalt  }
0x78: {  	_ =	shalt  }
0x79: {  	_ =	shalt  }
0x7a: {  	_ =	shalt  }
0x7b: {  	_ =	shalt  }
0x7c: {  	_ =	shalt  }
0x7d: {  	_ =	shalt  }
0x7e: {  	_ =	shalt  }
0x7f: {  	_ =	shalt  }
0x80: {  	_ =	shalt  }
0x81: {  	_ =	shalt  }
0x82: {  	_ =	shalt  }
0x83: {  	_ =	shalt  }
0x84: {  	_ =	shalt  }
0x85: {  	_ =	shalt  }
0x86: {  	_ =	shalt  }
0x87: {  	_ =	shalt  }
.Lfunc_end0:
.L_simem_size_0:
called_computation_lowered:
.L_overlay_start_0:
0x88: {  	s2 =	sld [smem:$0x3FD9]  }
0x89: {  	s3 =	sld [smem:$0x3FFE];
	_ =	sdelay $0x1  }
0x8a: {  	s1 =	srdreg.scid  }
0x8b: {  	s0 =	sand.u32 $0x1, s1  }
0x8c: {  	s17 =	sshll.u32 s0, $0xA;
	s2 =	sadd.s32 s3, s2  }
0x8d: {  	s2 =	sadd.s32 s2, s17  }
0x8e: {  	[smem:$0x3FC4] =	sst s2  }
0x8f: {  	_ = 	snop  }
0x90: {  	s2 =	sld [smem:$0x3FD0];
	(tm) =	ssettm $0x1  }
0x91: {  	s18 =	sld [smem:$0x3FFB];
	_ =	sdelay $0x3  }
0x92: {  	_ =	strace s18  }
0x93: {  	s3 =	sld [smem:$0x3FFC];
	_ =	sdelay $0x3  }
0x94: {  	_ =	strace s3  }
0x95: {  	s3 =	sld [smem:$0x3FFD];
	_ =	sdelay $0x3  }
0x96: {  	_ =	strace s3  }
0x97: {  	_ =	strace $0x8FFFFFFF  }
0x98: {  	s19 =	sld [smem:$0x3FDB];
	_ =	sdelay $0x1  }
0x99: {  	s4 =	simm.s32 $_scs_section_size  }
0x9a: {  	s5 =	simm.s32 $_size__tile_overlayer_lowered;
	s6 =	simm.s32 $_tile_overlayer_lowered  }
0x9b: {  	s22 =	simm.s32 $0x1BFF;
	s21 =	sshll.u32 s6, $0x1;
	s3 =	sadd.s32 s4, s19  }
0x9c: {  	s7 =	simm.s32 $0x0;
	s20 =	sshll.u32 s5, $0x1;
	s5 =	sadd.s32 s21, s3  }
0x9d: {  	[timem:s7], [sflag:s22] =	dma.local [hbm:s5], s20  }
0x9e: {  	_ =	swait.ge [sflag:s22], s20  }
0x9f: {  	s4 =	ssub.s32 $0x0, s20;
	[sflag:s22] =	ssyncset.done $0x0  }
0xa0: {  	[sflag:s22] =	ssyncadd.s32 s4;
	_ =	sdelay $0x1  }
0xa1: {  	s23 =	simm.s32 $0x1B8B  }
0xa2: {  	_ =	swait.ge [sflag:s23], $0x1  }
0xa3: {  	[sflag:s23] =	ssyncset.done $0x0  }
0xa4: {  	s25 =	simm.s32 $0x1B8E;
	s24 =	sld [smem:$0x3FFE];
	[sflag:s23] =	ssyncadd.s32 $0xFFFFFFFF  }
0xa5: {  	s26 =	simm.s32 $execute0_lowered;
	[smem:$0x3FD2] =	sst s25  }
0xa6: {  	s5 =	sshll.u32 s26, $0x1;
	_ =	strace $0x80000046;
	[dreg:$0x1] =	wrdreg $0xFFFFFFFF  }
0xa7: {  	s28 =	simm.s32 $_size_execute0_lowered;
	s3 =	sadd.s32 s3, s5;
	[dreg:$0x0] =	wrdreg $0x0  }
0xa8: {  	s5 =	sshll.u32 s28, $0x1;
	[dreg:$0x2] =	wrdreg s3  }
0xa9: {  	[dreg:$0x3] =	wrdreg s5  }
0xaa: {  	[dreg:$0x4] =	wrdreg $0xC0  }
0xab: {  	_ =	task [dreg:s7], $0x5FFFF  }
0xac: {  	[dreg:$0x1] =	wrdreg $0xFFFFFFFF  }
0xad: {  	[dreg:$0x0] =	wrdreg $0x60  }
0xae: {  	[dreg:$0x2] =	wrdreg s2  }
0xaf: {  	[dreg:$0x3] =	wrdreg s24  }
0xb0: {  	[dreg:$0x4] =	wrdreg $0x150000  }
0xb1: {  	[dreg:$0x5] =	wrdreg $0x9  }
0xb2: {  	_ =	task.clear_ibuf [dreg:s7], $0x6FFFF;
	_ =	strace $0x90000046  }
0xb3: {  	s29 =	simm.s32 $0x9;
	_ =	strace $0x80000048  }
0xb4: {  	_ =	swait.ge [sflag:s29], $0x1  }
0xb5: {  	[sflag:s29] =	ssyncadd.s32 $0xFFFFFFFF  }
0xb6: {  	_ =	strace $0x90000048  }
0xb7: {  	_ =	sfence  }
0xb8: {  	s30 =	sld [smem:$0x0];
	_ =	sdelay $0x2  }
0xb9: {  	s31 =	sshll.u32 s1, $0xD;
	s1 =	sshrl.u32 s1, $0x2  }
0xba: {  	s3 =	sand.u32 $0x4000, s31;
	s1 =	sadd.s32 s1, s30  }
0xbb: {  	s0 =	sor.u32 s3, s0;
	s1 =	sshll.u32 s1, $0x11  }
0xbc: {  	s0 =	sor.u32 s1, s0  }
0xbd: {  	s0 =	sadd.s32 $0x8F2B, s0  }
0xbe: {  	[sflag:s0] =	ssyncadd.remote.s32 $0x1  }
0xbf: {  	_ =	sfence.sel $0xFFFF  }
0xc0: {  	[dreg:$0x0] =	wrdreg $0xFFFFFFFF;
	(pc) =	sbr.abs _section_cstart, $3  }
0xc1: {  	[dreg:$0x1] =	wrdreg $0xFFFFFFFF  }
0xc2: {  	_ =	task.clear_ibuf [dreg:s7], $0x2FFFF;
	_ =	strace $0x9FFFFFFF  }
0xc3: {  	(tm) =	ssettm $0x7FFFFFFF  }
tec
execute0_lowered:
.L_overlay_start_1:
0x0: {  	(tag) =	ssettag $0x1  }
0x1: {  	s0 =	rddreg [dreg:$0x0]  }
0x2: {  	s1 =	srdreg.scid;
	s2 =	rddreg [dreg:$0x1]  }
0x3: {  	s4 =	rddreg [dreg:$0x2];
	s7 =	stileid.u32  }
0x4: {  	s1 =	sand.u32 $0x1, s1;
	s6 =	sshrl.u32 s7, $0x2;
	s7 =	sand.u32 $0x3, s7  }
0x5: {  	s3 =	ssub.s32 $0x2, s1;
	s8 =	sshll.u32 s1, $0x2;
	s19 =	sshll.u32 s6, $0xD  }
0x6: {  	s6 =	sshll.u32 s6, $0x10;
	s20 =	sshll.u32 s7, $0xE;
	s1 =	sshll.u32 s1, $0x13  }
0x7: {  	s5 =	sshrl.u32 s3, $0x1;
	s8 =	sor.u32 s7, s8;
	s0 =	sadd.s32 s0, s19  }
0x8: {  	s21 =	sadd.s32 s6, s4;
	s9 =	sor.u32 $0x800, s20;
	s10 =	sor.u32 $0x1000, s20  }
0x9: {  	s23 =	sor.u32 $0x1800, s20;
	s19 =	simm.s32 $0x0;
	[dreg:$0x4] =	wrdreg s0  }
0xa: {  	s12 =	sor.u32 $0x2000, s20;
	s11 =	sadd.s32 s9, s21;
	[smem:$0x7FF] =	sst s19  }
0xb: {  	s13 =	sor.u32 $0x2800, s20;
	s22 =	sadd.s32 s10, s21;
	[dreg:$0x5] =	wrdreg s11  }
0xc: {  	s26 =	sor.u32 $0x3000, s20;
	s14 =	sadd.s32 s23, s21;
	[dreg:$0x6] =	wrdreg s22  }
0xd: {  	s15 =	sor.u32 $0x3800, s20;
	s24 =	sadd.s32 s12, s21;
	[dreg:$0x7] =	wrdreg s14  }
0xe: {  	s16 =	sor.u32 $0x40000, s6;
	s25 =	sadd.s32 s13, s21;
	[dreg:$0x8] =	wrdreg s24  }
0xf: {  	s5 =	ssub.s32 s3, s5;
	s17 =	sadd.s32 s26, s21;
	[dreg:$0x9] =	wrdreg s25  }
0x10: {  	s3 =	sadd.s32 s20, s21;
	s7 =	sadd.s32 s15, s21;
	[dreg:$0xa] =	wrdreg s17  }
0x11: {  	s4 =	sadd.s32 s16, s4;
	s21 =	sshll.u32 s8, $0x8;
	[dreg:$0xb] =	wrdreg s7  }
0x12: {  	s28 =	sadd.s32 s9, s4;
	s9 =	sadd.s32 s10, s4;
	s10 =	sadd.s32 s23, s4  }
0x13: {  	s11 =	sadd.s32 s12, s4;
	s12 =	sadd.s32 s13, s4;
	[dreg:$0xc] =	wrdreg s28  }
0x14: {  	s13 =	sadd.s32 s26, s4;
	s14 =	sadd.s32 s15, s4;
	[dreg:$0xd] =	wrdreg s9  }
0x15: {  	s18 =	sadd.s32 s20, s4;
	s15 =	sor.u32 s1, s6;
	[dreg:$0xe] =	wrdreg s10  }
0x16: {  	s1 =	sor.u32 s1, s20;
	s22 =	sadd.s32 $0x40C00, s2;
	[dreg:$0xf] =	wrdreg s11  }
0x17: {  	s23 =	sadd.s32 $0x80C00, s2;
	s24 =	sadd.s32 $0xC00, s2;
	[dreg:$0x10] =	wrdreg s12  }
0x18: {  	s4 =	simm.s32 $0x14800;
	s6 =	simm.s32 $0x12400;
	[dreg:$0x11] =	wrdreg s13  }
0x19: {  	s7 =	simm.s32 $0x12800;
	[dreg:$0x12] =	wrdreg s14;
	s0 =	sor.u32 s20, s15  }
0x1a: {  	s1 =	sor.u32 s16, s1;
	s16 =	sadd.s32 $0xC0C00, s2;
	s20 =	sshll.u32 s8, $0xF  }
0x1b: {  	s2 =	smax.u32 s5, $0x1;
	s5 =	simm.s32 $0x4;
	s8 =	simm.s32 $0x12C00  }
0x1c: {  	s9 =	simm.s32 $0x1;
	s10 =	simm.s32 $0x2;
	s11 =	simm.s32 $0x3  }
0x1d: {  	s12 =	simm.s32 $0x0;
	s0 =	sshrl.u32 s0, $0x3;
	s25 =	sadd.s32 s22, s20  }
0x1e: {  	_ =	strace $0x80000047;
	s26 =	sadd.s32 s23, s20;
	[dreg:$0x15] =	wrdreg s25  }
.Ltmp0:
0x1f: {  	s28 =	sadd.s32 s24, s20;
	[dreg:$0x16] =	wrdreg s26;
	(pc) =	sbr.rel .LBB2_1-.Ltmp0, $4  }
0x20: {  	s1 =	sshrl.u32 s1, $0x3;
	s0 =	sadd.s32 s16, s0;
	[dreg:$0x17] =	wrdreg s28  }
0x21: {  	s17 =	sadd.s32 s16, s1;
	[dreg:$0x13] =	wrdreg s0;
	s0 =	sor.u32 $0x80, s20  }
0x22: {  	s1 =	sor.u32 $0x3, s21;
	[dreg:$0x14] =	wrdreg s17;
	s29 =	sadd.s32 s22, s0  }
0x23: {  	v0 =	vimm.f32 $0.0e+00;
	s30 =	sadd.s32 s23, s0;
	s31 =	sadd.s32 s24, s0;
	s0 =	sor.u32 $0x2, s21  }
.LBB2_10:
0x24: {  	s13 =	stileid.u32  }
0x25: {  	[bflag:$0x0] =	sbarrier.arrive $0xFFFF;
	s13 =	sshll.u32 s13, $0x6  }
0x26: {  	s14 =	sshrl.u32 s3, $0x3;
	s15 =	rddreg [dreg:$0x13];
	s13 =	sor.u32 $0x1C04, s13  }
0x27: {  	[hbm:s15], [sflag:s13] =	dma.local [spmem:s14], $0x800  }
0x28: {  	s12 =	sadd.s32 $0x1, s12;
	_ =	swait.ge [sflag:s5], $0x800  }
0x29: {  	s26 =	sshrl.u32 s18, $0x3;
	p0 =	sne.s32 s12, s2;
	[sflag:s5] =	ssyncset.done $0x0  }
.Ltmp1:
0x2a: {  	s28 =	rddreg [dreg:$0x14];
	[sflag:s5] =	ssyncadd.s32 $0xFFFFF800;
	(pc) =	sbr.rel @!p0 .LBB2_11-.Ltmp1, $4  }
0x2b: {  	[hbm:s28], [sflag:s13] =	dma.local [spmem:s26], $0x800  }
0x2c: {  	_ =	swait.ge [sflag:s5], $0x800  }
0x2d: {  	[sflag:s5] =	ssyncset.done $0x0  }
0x2e: {  	[sflag:s5] =	ssyncadd.s32 $0xFFFFF800  }
.LBB2_1:
0x2f: {  	s13 =	rddreg [dreg:$0x4]  }
0x30: {  	[tilespmem:s19], [sflag:$0x1] =	stream.linear.gather [hbm4b:s13+s19], $0x10000, $0x38;
	[tilespmem:$0x1D000] =	vst v63  }
0x31: {  	s14 =	simm.s32 $0x0;
	s13 =	simm.s32 $0x40  }
.LBB2_2:
0x32: {  	p0 =	sne.s32 s13, $0x1FC0;
	[tilespmem:s14+$0x14800] =	vst v0;
	s14 =	smov.u32 s13;
	s13 =	sadd.s32 $0x40, s13  }
.Ltmp2:
0x33: {  	(pc) =	sbr.rel @p0 .LBB2_2-.Ltmp2, $2  }
0x34: {  	_ =	sdelay $0x2  }
0x35: {  	s14 =	sshra.s32 s14, $0x2  }
0x36: {  	[tilespmem:s14+$0x14800] =	vst v0  }
0x37: {  	[spmem:s3] =	stream.linear.scatter [tilespmem:s4], [sflag:$0x4], $0x800, $0x38;
	[tilespmem:$0x1D000] =	vst v63  }
0x38: {  	_ =	swait.ge [sflag:s5], $0x800  }
0x39: {  	[sflag:s5] =	ssyncset.done $0x0  }
0x3a: {  	s13 =	rddreg [dreg:$0x5];
	[sflag:s5] =	ssyncadd.s32 $0xFFFFF800  }
0x3b: {  	[spmem:s13] =	stream.linear.scatter [tilespmem:s4], [sflag:$0x4], $0x800, $0x38;
	[tilespmem:$0x1D000] =	vst v63  }
0x3c: {  	_ =	swait.ge [sflag:s5], $0x800  }
0x3d: {  	[sflag:s5] =	ssyncset.done $0x0  }
0x3e: {  	s14 =	rddreg [dreg:$0x6];
	[sflag:s5] =	ssyncadd.s32 $0xFFFFF800  }
0x3f: {  	[spmem:s14] =	stream.linear.scatter [tilespmem:s4], [sflag:$0x4], $0x800, $0x38;
	[tilespmem:$0x1D000] =	vst v63  }
0x40: {  	_ =	swait.ge [sflag:s5], $0x800  }
0x41: {  	[sflag:s5] =	ssyncset.done $0x0  }
0x42: {  	s15 =	rddreg [dreg:$0x7];
	[sflag:s5] =	ssyncadd.s32 $0xFFFFF800  }
0x43: {  	[spmem:s15] =	stream.linear.scatter [tilespmem:s4], [sflag:$0x4], $0x800, $0x38;
	[tilespmem:$0x1D000] =	vst v63  }
0x44: {  	_ =	swait.ge [sflag:s5], $0x800  }
0x45: {  	[sflag:s5] =	ssyncset.done $0x0  }
0x46: {  	s16 =	rddreg [dreg:$0x8];
	[sflag:s5] =	ssyncadd.s32 $0xFFFFF800  }
0x47: {  	[spmem:s16] =	stream.linear.scatter [tilespmem:s4], [sflag:$0x4], $0x800, $0x38;
	[tilespmem:$0x1D000] =	vst v63  }
0x48: {  	_ =	swait.ge [sflag:s5], $0x800  }
0x49: {  	[sflag:s5] =	ssyncset.done $0x0  }
0x4a: {  	s17 =	rddreg [dreg:$0x9];
	[sflag:s5] =	ssyncadd.s32 $0xFFFFF800  }
0x4b: {  	[spmem:s17] =	stream.linear.scatter [tilespmem:s4], [sflag:$0x4], $0x800, $0x38;
	[tilespmem:$0x1D000] =	vst v63  }
0x4c: {  	_ =	swait.ge [sflag:s5], $0x800  }
0x4d: {  	[sflag:s5] =	ssyncset.done $0x0  }
0x4e: {  	s20 =	rddreg [dreg:$0xa];
	[sflag:s5] =	ssyncadd.s32 $0xFFFFF800  }
0x4f: {  	[spmem:s20] =	stream.linear.scatter [tilespmem:s4], [sflag:$0x4], $0x800, $0x38;
	[tilespmem:$0x1D000] =	vst v63  }
0x50: {  	_ =	swait.ge [sflag:s5], $0x800  }
0x51: {  	[sflag:s5] =	ssyncset.done $0x0  }
0x52: {  	s21 =	rddreg [dreg:$0xb];
	[sflag:s5] =	ssyncadd.s32 $0xFFFFF800  }
0x53: {  	[spmem:s21] =	stream.linear.scatter [tilespmem:s4], [sflag:$0x4], $0x800, $0x38;
	[tilespmem:$0x1D000] =	vst v63  }
0x54: {  	_ =	swait.ge [sflag:s5], $0x800  }
0x55: {  	[sflag:s5] =	ssyncset.done $0x0  }
0x56: {  	[sflag:s5] =	ssyncadd.s32 $0xFFFFF800  }
0x57: {  	[spmem:s18] =	stream.linear.scatter [tilespmem:s4], [sflag:$0x4], $0x800, $0x38;
	[tilespmem:$0x1D000] =	vst v63  }
0x58: {  	_ =	swait.ge [sflag:s5], $0x800  }
0x59: {  	[sflag:s5] =	ssyncset.done $0x0  }
0x5a: {  	s25 =	rddreg [dreg:$0xc];
	[sflag:s5] =	ssyncadd.s32 $0xFFFFF800  }
0x5b: {  	[spmem:s25] =	stream.linear.scatter [tilespmem:s4], [sflag:$0x4], $0x800, $0x38;
	[tilespmem:$0x1D000] =	vst v63  }
0x5c: {  	_ =	swait.ge [sflag:s5], $0x800  }
0x5d: {  	[sflag:s5] =	ssyncset.done $0x0  }
0x5e: {  	s26 =	rddreg [dreg:$0xd];
	[sflag:s5] =	ssyncadd.s32 $0xFFFFF800  }
0x5f: {  	[spmem:s26] =	stream.linear.scatter [tilespmem:s4], [sflag:$0x4], $0x800, $0x38;
	[tilespmem:$0x1D000] =	vst v63  }
0x60: {  	_ =	swait.ge [sflag:s5], $0x800  }
0x61: {  	[sflag:s5] =	ssyncset.done $0x0  }
0x62: {  	s28 =	rddreg [dreg:$0xe];
	[sflag:s5] =	ssyncadd.s32 $0xFFFFF800  }
0x63: {  	[spmem:s28] =	stream.linear.scatter [tilespmem:s4], [sflag:$0x4], $0x800, $0x38;
	[tilespmem:$0x1D000] =	vst v63  }
0x64: {  	_ =	swait.ge [sflag:s5], $0x800  }
0x65: {  	[sflag:s5] =	ssyncset.done $0x0  }
0x66: {  	s14 =	rddreg [dreg:$0xf];
	[sflag:s5] =	ssyncadd.s32 $0xFFFFF800  }
0x67: {  	[spmem:s14] =	stream.linear.scatter [tilespmem:s4], [sflag:$0x4], $0x800, $0x38;
	[tilespmem:$0x1D000] =	vst v63  }
0x68: {  	_ =	swait.ge [sflag:s5], $0x800  }
0x69: {  	[sflag:s5] =	ssyncset.done $0x0  }
0x6a: {  	s15 =	rddreg [dreg:$0x10];
	[sflag:s5] =	ssyncadd.s32 $0xFFFFF800  }
0x6b: {  	[spmem:s15] =	stream.linear.scatter [tilespmem:s4], [sflag:$0x4], $0x800, $0x38;
	[tilespmem:$0x1D000] =	vst v63  }
0x6c: {  	_ =	swait.ge [sflag:s5], $0x800  }
0x6d: {  	[sflag:s5] =	ssyncset.done $0x0  }
0x6e: {  	s16 =	rddreg [dreg:$0x11];
	[sflag:s5] =	ssyncadd.s32 $0xFFFFF800  }
0x6f: {  	[spmem:s16] =	stream.linear.scatter [tilespmem:s4], [sflag:$0x4], $0x800, $0x38;
	[tilespmem:$0x1D000] =	vst v63  }
0x70: {  	_ =	swait.ge [sflag:s5], $0x800  }
0x71: {  	[sflag:s5] =	ssyncset.done $0x0  }
0x72: {  	s17 =	rddreg [dreg:$0x12];
	[sflag:s5] =	ssyncadd.s32 $0xFFFFF800  }
0x73: {  	[spmem:s17] =	stream.linear.scatter [tilespmem:s4], [sflag:$0x4], $0x800, $0x38;
	[tilespmem:$0x1D000] =	vst v63  }
0x74: {  	_ =	swait.ge [sflag:s5], $0x800  }
0x75: {  	[sflag:s5] =	ssyncset.done $0x0  }
0x76: {  	[sflag:s5] =	ssyncadd.s32 $0xFFFFF800  }
0x77: {  	[bflag:$0x0] =	sbarrier.arrive $0xFFFF  }
0x78: {  	s13 =	simm.s32 $0x0;
	s15 =	simm.s32 $0x10000;
	s20 =	rddreg [dreg:$0x15]  }
0x79: {  	[tilespmem:s15], [sflag:$0x2] =	stream.linear.gather [hbm4b:s20+s13], $0x400, $0x38;
	[tilespmem:$0x1D000] =	vst v63  }
0x7a: {  	s25 =	simm.s32 $0x10400;
	s21 =	rddreg [dreg:$0x16]  }
0x7b: {  	[tilespmem:s25], [sflag:$0x2] =	stream.linear.gather [hbm4b:s21+s13], $0x400, $0x38;
	[tilespmem:$0x1D000] =	vst v63  }
0x7c: {  	s28 =	simm.s32 $0x10800;
	s26 =	rddreg [dreg:$0x17]  }
0x7d: {  	[tilespmem:s28], [sflag:$0x2] =	stream.linear.gather [hbm4b:s26+s13], $0x400, $0x38;
	[tilespmem:$0x1D000] =	vst v63  }
0x7e: {  	_ = 	snop  }
0x7f: {  	[tilespmem:s6], [sflag:$0x3] =	stream.linear.gather [hbm4b:s29+s13], $0x400, $0x38;
	[tilespmem:$0x1D000] =	vst v63  }
0x80: {  	_ = 	snop  }
0x81: {  	[tilespmem:s7], [sflag:$0x3] =	stream.linear.gather [hbm4b:s30+s13], $0x400, $0x38;
	[tilespmem:$0x1D000] =	vst v63  }
0x82: {  	_ = 	snop  }
0x83: {  	[tilespmem:s8], [sflag:$0x3] =	stream.linear.gather [hbm4b:s31+s13], $0x400, $0x38;
	[tilespmem:$0x1D000] =	vst v63  }
0x84: {  	_ =	swait.ge [sflag:s9], $0x10000  }
0x85: {  	[sflag:s9] =	ssyncset.done $0x0  }
0x86: {  	[sflag:s9] =	ssyncadd.s32 $0xFFFF0000  }
.LBB2_4:
0x87: {  	_ =	swait.ge [sflag:s10], $0xC00  }
0x88: {  	[sflag:s10] =	ssyncset.done $0x0  }
0x89: {  	s17 =	simm.s32 $0x10440;
	[sflag:s10] =	ssyncadd.s32 $0xFFFFF400  }
0x8a: {  	v1 =	vld [tilespmem:s17+$0xFFFFFC30]  }
0x8b: {  	v2 =	vld [tilespmem:s17+$0xFFFFFBD0]  }
0x8c: {  	v3 =	vld [tilespmem:s17+$0xFFFFFBE0]  }
0x8d: {  	v4 =	vld [tilespmem:s17+$0xFFFFFBF0]  }
0x8e: {  	v5 =	vld [tilespmem:s17+$0xFFFFFC00]  }
0x8f: {  	v6 =	vld [tilespmem:s17+$0xFFFFFC10]  }
0x90: {  	v8 =	vld [tilespmem:s17+$0xFFFFFC20]  }
0x91: {  	v10 =	vld [tilespmem:s17+$0xFFFFFBC0]  }
0x92: {  	v11 =	vld [tilespmem:s17+$0xFFFFFFC0];
	v7 =	vand.u32 $0xFFFF, v1  }
0x93: {  	v13 =	vld [tilespmem:s17+$0x30];
	v1 =	vshrl.u32 v1, $0x10  }
0x94: {  	v19 =	vld [tilespmem:s17+$0x430];
	v9 =	vand.u32 $0xFFFF, v2  }
0x95: {  	v30 =	vld [tilespmem:s17+$0xFFFFFFD0];
	v12 =	vand.u32 $0xFFFF, v3;
	v3 =	vshrl.u32 v3, $0x10  }
0x96: {  	v31 =	vld [tilespmem:s17+$0xFFFFFFE0];
	v14 =	vand.u32 $0xFFFF, v4  }
0x97: {  	v15 =	vand.u32 $0xFFFF, v10;
	v7 =	vld.idx.msk [tilespmem:v7+s19+$0x0], $0xffff  }
0x98: {  	v10 =	vshrl.u32 v10, $0x10;
	v1 =	vld.idx.msk [tilespmem:v1+s19+$0x0], $0xffff  }
0x99: {  	v4 =	vshrl.u32 v4, $0x10;
	v9 =	vld.idx.msk [tilespmem:v9+s19+$0x0], $0xffff  }
0x9a: {  	v2 =	vshrl.u32 v2, $0x10;
	v16 =	vand.u32 $0xFFFF, v5;
	v17 =	vand.u32 $0xFFFF, v6;
	v3 =	vld.idx.msk [tilespmem:v3+s19+$0x0], $0xffff  }
0x9b: {  	v5 =	vshrl.u32 v5, $0x10;
	v6 =	vshrl.u32 v6, $0x10;
	v18 =	vand.u32 $0xFFFF, v8;
	v14 =	vld.idx.msk [tilespmem:v14+s19+$0x0], $0xffff  }
0x9c: {  	v8 =	vshrl.u32 v8, $0x10;
	v20 =	vshll.u32 v11, $0x10;
	v11 =	vand.u32 $0xFFFF0000, v11;
	v15 =	vld.idx.msk [tilespmem:v15+s19+$0x0], $0xffff  }
0x9d: {  	v21 =	vshll.u32 v13, $0x10;
	v13 =	vand.u32 $0xFFFF0000, v13;
	v27 =	vshrl.u32 v19, $0x10;
	v10 =	vld.idx.msk [tilespmem:v10+s19+$0x0], $0xffff  }
0x9e: {  	v19 =	vand.u32 $0xFFFF, v19;
	v61 =	vshll.u32 v31, $0x10;
	v62 =	vand.u32 $0xFFFF0000, v31;
	v4 =	vld.idx.msk [tilespmem:v4+s19+$0x0], $0xffff  }
0x9f: {  	v17 =	vld.idx.msk [tilespmem:v17+s19+$0x0], $0xffff;
	v22 =	vshll.u32 v7, $0x10;
	v23 =	vshll.u32 v1, $0x10;
	v24 =	vshll.u32 v9, $0x10  }
0xa0: {  	v6 =	vld.idx.msk [tilespmem:v6+s19+$0x0], $0xffff;
	v7 =	vand.u32 $0xFFFF0000, v7;
	v9 =	vand.u32 $0xFFFF0000, v9;
	v1 =	vand.u32 $0xFFFF0000, v1  }
0xa1: {  	v18 =	vld.idx.msk [tilespmem:v18+s19+$0x0], $0xffff;
	v25 =	vshll.u32 v3, $0x10;
	v3 =	vand.u32 $0xFFFF0000, v3;
	v26 =	vshll.u32 v14, $0x10  }
0xa2: {  	v8 =	vld.idx.msk [tilespmem:v8+s19+$0x0], $0xffff;
	v14 =	vand.u32 $0xFFFF0000, v14;
	v28 =	vshll.u32 v15, $0x10;
	v15 =	vand.u32 $0xFFFF0000, v15  }
0xa3: {  	v2 =	vld.idx.msk [tilespmem:v2+s19+$0x0], $0xffff;
	v29 =	vshll.u32 v10, $0x10;
	v10 =	vand.u32 $0xFFFF0000, v10;
	v22 =	vmul.f32 v22, v21  }
0xa4: {  	s14 =	simm.s32 $0x11800;
	v12 =	vld.idx.msk [tilespmem:v12+s19+$0x0], $0xffff;
	v60 =	vshll.u32 v4, $0x10;
	v4 =	vand.u32 $0xFFFF0000, v4;
	v23 =	vmul.f32 v23, v13  }
0xa5: {  	v16 =	vld.idx.msk [tilespmem:v16+s19+$0x0], $0xffff;
	v32 =	vand.u32 $0xFFFF0000, v17;
	v33 =	vshll.u32 v6, $0x10;
	v28 =	vmul.f32 v28, v20;
	[tilespmem:s14+$0xFFFFFC70] =	vst v22  }
0xa6: {  	v39 =	vld [tilespmem:s17+$0x3E0];
	v34 =	vshll.u32 v18, $0x10;
	v35 =	vand.u32 $0xFFFF0000, v18;
	v7 =	vmul.f32 v7, v21;
	[tilespmem:s14+$0x70] =	vst v23  }
0xa7: {  	s15 =	simm.s32 $0x12000;
	v36 =	vshll.u32 v8, $0x10;
	v37 =	vand.u32 $0xFFFF0000, v8;
	v8 =	vld [tilespmem:s17+$0x3C0];
	v1 =	vmul.f32 v1, v13;
	[tilespmem:s14+$0xFFFFFC00] =	vst v28  }
0xa8: {  	v5 =	vld.idx.msk [tilespmem:v5+s19+$0x0], $0xffff;
	v18 =	vshll.u32 v30, $0x10;
	v21 =	vshll.u32 v2, $0x10;
	v2 =	vand.u32 $0xFFFF0000, v2;
	[tilespmem:s15+$0xFFFFFC70] =	vst v7  }
0xa9: {  	s16 =	simm.s32 $0x11000;
	v44 =	vld [tilespmem:s17+$0x3F0];
	v13 =	vshll.u32 v12, $0x10;
	v12 =	vand.u32 $0xFFFF0000, v12;
	v15 =	vmul.f32 v15, v20;
	[tilespmem:s15+$0x70] =	vst v1  }
0xaa: {  	v20 =	vshll.u32 v16, $0x10;
	v16 =	vand.u32 $0xFFFF0000, v16;
	v22 =	vmul.f32 v29, v11;
	v23 =	vld [tilespmem:s17+$0xFFFFFFF0];
	[tilespmem:s16+$0x70] =	vst v27  }
0xab: {  	v43 =	vmul.f32 v25, v62;
	v25 =	vshrl.u32 v39, $0x10;
	v7 =	vmul.f32 v10, v11;
	v11 =	vld [tilespmem:s17+$0x0];
	[tilespmem:s16+$0xFFFFFC70] =	vst v19  }
0xac: {  	v42 =	vmul.f32 v13, v61;
	v28 =	vmul.f32 v12, v61;
	v1 =	vshll.u32 v17, $0x10;
	v17 =	vld [tilespmem:s17+$0x10];
	[tilespmem:s14+$0x0] =	vst v22  }
0xad: {  	v63 =	vld [tilespmem:s17+$0x3D0];
	v10 =	vshll.u32 v5, $0x10;
	v19 =	vand.u32 $0xFFFF0000, v30;
	v22 =	vmul.f32 v24, v18;
	[tilespmem:s15+$0xFFFFFC00] =	vst v15  }
0xae: {  	v5 =	vand.u32 $0xFFFF0000, v5;
	v27 =	vand.u32 $0xFFFF0000, v6;
	v15 =	vmul.f32 v21, v19;
	[tilespmem:s15+$0x0] =	vst v7  }
0xaf: {  	v6 =	vld [tilespmem:s17+$0x20];
	v7 =	vmul.f32 v9, v18;
	v2 =	vmul.f32 v2, v19;
	[tilespmem:s14+$0xFFFFFC10] =	vst v22;
	v22 =	vand.u32 $0xFFFF, v44  }
0xb0: {  	v24 =	vshll.u32 v23, $0x10;
	v23 =	vand.u32 $0xFFFF0000, v23;
	v21 =	vshll.u32 v11, $0x10  }
0xb1: {  	[tilespmem:s14+$0x10] =	vst v15;
	v11 =	vand.u32 $0xFFFF0000, v11;
	v9 =	vshll.u32 v17, $0x10;
	v38 =	vand.u32 $0xFFFF0000, v17  }
0xb2: {  	v19 =	vmul.f32 v26, v24;
	v17 =	vmul.f32 v60, v23;
	[tilespmem:s15+$0xFFFFFC10] =	vst v7;
	v7 =	vshrl.u32 v63, $0x10  }
0xb3: {  	[tilespmem:s14+$0x20] =	vst v43;
	v18 =	vmul.f32 v14, v24;
	v15 =	vmul.f32 v4, v23;
	v24 =	vand.u32 $0xFFFF, v39  }
0xb4: {  	[tilespmem:s14+$0xFFFFFC20] =	vst v42;
	v26 =	vld [tilespmem:s17+$0x400];
	v40 =	vshll.u32 v6, $0x10;
	v14 =	vmul.f32 v20, v21;
	v12 =	vmul.f32 v10, v11  }
0xb5: {  	[tilespmem:s15+$0x10] =	vst v2;
	v41 =	vand.u32 $0xFFFF0000, v6;
	v13 =	vmul.f32 v16, v21;
	v11 =	vmul.f32 v5, v11;
	v21 =	vld [tilespmem:s17+$0x410]  }
0xb6: {  	v6 =	vand.u32 $0xFFFF, v8;
	[tilespmem:s16+$0x10] =	vst v7;
	v10 =	vmul.f32 v1, v9;
	v9 =	vmul.f32 v32, v9;
	v5 =	vld [tilespmem:s17+$0x420]  }
0xb7: {  	v8 =	vshrl.u32 v8, $0x10;
	v7 =	vmul.f32 v27, v38;
	[tilespmem:s16+$0xFFFFFC00] =	vst v6;
	v6 =	vmul.f32 v3, v62  }
0xb8: {  	v23 =	vshrl.u32 v44, $0x10;
	[tilespmem:s16+$0x0] =	vst v8;
	v8 =	vmul.f32 v33, v38;
	v4 =	vmul.f32 v34, v40  }
0xb9: {  	s25 =	simm.s32 $0x0;
	s26 =	simm.s32 $0x104C0;
	[tilespmem:s15+$0xFFFFFC20] =	vst v28;
	v3 =	vand.u32 $0xFFFF, v63;
	v2 =	vmul.f32 v35, v40;
	v1 =	vmul.f32 v37, v41  }
0xba: {  	s21 =	simm.s32 $0x11800;
	s20 =	simm.s32 $0x12000;
	s17 =	simm.s32 $0x11000;
	[tilespmem:s16+$0xFFFFFC10] =	vst v3;
	v3 =	vmul.f32 v36, v41;
	v16 =	vand.u32 $0xFFFF, v26;
	v20 =	vshrl.u32 v26, $0x10  }
.LBB2_5:
0xbb: {  	v26 =	vld [tilespmem:s26+$0xFFFFFC30];
	[tilespmem:s15+$0x20] =	vst v6;
	v27 =	vand.u32 $0xFFFF, v21;
	v21 =	vshrl.u32 v21, $0x10;
	v6 =	vand.u32 $0xFFFF, v5  }
0xbc: {  	v5 =	vshrl.u32 v5, $0x10;
	v28 =	vld [tilespmem:s26+$0xFFFFFBD0];
	[tilespmem:s16+$0xFFFFFC20] =	vst v24  }
0xbd: {  	v24 =	vld [tilespmem:s26+$0xFFFFFBE0];
	[tilespmem:s16+$0x20] =	vst v25  }
0xbe: {  	v25 =	vld [tilespmem:s26+$0xFFFFFBF0];
	[tilespmem:s14+$0xFFFFFC30] =	vst v19  }
0xbf: {  	s25 =	sadd.s32 $0x80, s25;
	v19 =	vld [tilespmem:s26+$0xFFFFFC00];
	[tilespmem:s14+$0x30] =	vst v17  }
0xc0: {  	p0 =	slt.u32 s25, $0x380;
	v17 =	vld [tilespmem:s26+$0xFFFFFC10];
	v29 =	vand.u32 $0xFFFF, v26;
	[tilespmem:s15+$0xFFFFFC30] =	vst v18  }
0xc1: {  	v26 =	vshrl.u32 v26, $0x10;
	v18 =	vand.u32 $0xFFFF, v28;
	v28 =	vshrl.u32 v28, $0x10;
	v30 =	vld [tilespmem:s26+$0xFFFFFC20];
	[tilespmem:s15+$0x30] =	vst v15  }
0xc2: {  	v15 =	vld [tilespmem:s26+$0xFFFFFBC0];
	v31 =	vand.u32 $0xFFFF, v24;
	v24 =	vshrl.u32 v24, $0x10;
	[tilespmem:s16+$0xFFFFFC30] =	vst v22  }
0xc3: {  	v22 =	vld [tilespmem:s26+$0xFFFFFFC0];
	v32 =	vand.u32 $0xFFFF, v25;
	v25 =	vshrl.u32 v25, $0x10;
	[tilespmem:s16+$0x30] =	vst v23  }
0xc4: {  	v23 =	vand.u32 $0xFFFF, v19;
	v19 =	vshrl.u32 v19, $0x10;
	v33 =	vld [tilespmem:s26+$0x30];
	[tilespmem:s14+$0xFFFFFC40] =	vst v14  }
0xc5: {  	v14 =	vand.u32 $0xFFFF, v17;
	v17 =	vshrl.u32 v17, $0x10;
	v29 =	vld.idx.msk [tilespmem:v29+s19+$0x0], $0xffff;
	[tilespmem:s14+$0x40] =	vst v12  }
0xc6: {  	v12 =	vand.u32 $0xFFFF, v30;
	v30 =	vshrl.u32 v30, $0x10;
	v26 =	vld.idx.msk [tilespmem:v26+s19+$0x0], $0xffff;
	[tilespmem:s15+$0xFFFFFC40] =	vst v13  }
0xc7: {  	v13 =	vand.u32 $0xFFFF, v15;
	v15 =	vshrl.u32 v15, $0x10;
	v18 =	vld.idx.msk [tilespmem:v18+s19+$0x0], $0xffff;
	[tilespmem:s15+$0x40] =	vst v11  }
0xc8: {  	v11 =	vshll.u32 v22, $0x10;
	v22 =	vand.u32 $0xFFFF0000, v22;
	v28 =	vld.idx.msk [tilespmem:v28+s19+$0x0], $0xffff;
	[tilespmem:s16+$0xFFFFFC40] =	vst v16  }
0xc9: {  	v16 =	vld.idx.msk [tilespmem:v31+s19+$0x0], $0xffff;
	[tilespmem:s16+$0x40] =	vst v20  }
0xca: {  	v20 =	vld.idx.msk [tilespmem:v24+s19+$0x0], $0xffff;
	[tilespmem:s14+$0xFFFFFC50] =	vst v10  }
0xcb: {  	v24 =	vshll.u32 v33, $0x10;
	v31 =	vshll.u32 v29, $0x10;
	v10 =	vld.idx.msk [tilespmem:v32+s19+$0x0], $0xffff;
	[tilespmem:s14+$0x50] =	vst v8  }
0xcc: {  	v32 =	vand.u32 $0xFFFF0000, v33;
	v33 =	vshll.u32 v26, $0x10;
	v31 =	vmul.f32 v31, v24;
	v8 =	vld [tilespmem:s26+$0x430];
	[tilespmem:s15+$0xFFFFFC50] =	vst v9  }
0xcd: {  	v29 =	vand.u32 $0xFFFF0000, v29;
	s14 =	sadd.s32 $0x80, s14;
	v33 =	vmul.f32 v33, v32;
	v9 =	vld.idx.msk [tilespmem:v13+s19+$0x0], $0xffff;
	v13 =	vshll.u32 v18, $0x10;
	[tilespmem:s15+$0x50] =	vst v7  }
0xce: {  	v24 =	vmul.f32 v29, v24;
	v7 =	vld.idx.msk [tilespmem:v15+s19+$0x0], $0xffff;
	v15 =	vand.u32 $0xFFFF0000, v18;
	v18 =	vand.u32 $0xFFFF0000, v26;
	[tilespmem:s14+$0xFFFFFC70] =	vst v31  }
0xcf: {  	s15 =	sadd.s32 $0x80, s15;
	v26 =	vshll.u32 v28, $0x10;
	v28 =	vand.u32 $0xFFFF0000, v28;
	v25 =	vld.idx.msk [tilespmem:v25+s19+$0x0], $0xffff;
	[tilespmem:s14+$0x70] =	vst v33;
	v18 =	vmul.f32 v18, v32  }
0xd0: {  	v29 =	vshll.u32 v16, $0x10;
	v16 =	vand.u32 $0xFFFF0000, v16;
	v31 =	vshll.u32 v20, $0x10;
	v23 =	vld.idx.msk [tilespmem:v23+s19+$0x0], $0xffff;
	[tilespmem:s15+$0xFFFFFC70] =	vst v24  }
0xd1: {  	s16 =	sadd.s32 $0x80, s16;
	v20 =	vand.u32 $0xFFFF0000, v20;
	v24 =	vshll.u32 v10, $0x10;
	v19 =	vld.idx.msk [tilespmem:v19+s19+$0x0], $0xffff;
	[tilespmem:s15+$0x70] =	vst v18;
	v18 =	vshrl.u32 v8, $0x10  }
0xd2: {  	v10 =	vand.u32 $0xFFFF0000, v10;
	v8 =	vand.u32 $0xFFFF, v8;
	v14 =	vld.idx.msk [tilespmem:v14+s19+$0x0], $0xffff;
	[tilespmem:s16+$0x70] =	vst v18  }
0xd3: {  	v18 =	vshll.u32 v9, $0x10;
	v9 =	vand.u32 $0xFFFF0000, v9;
	v17 =	vld.idx.msk [tilespmem:v17+s19+$0x0], $0xffff;
	[tilespmem:s17+$0xFFFFFC50] =	vst v27  }
0xd4: {  	v27 =	vshll.u32 v7, $0x10;
	v7 =	vand.u32 $0xFFFF0000, v7;
	v18 =	vmul.f32 v18, v11;
	v12 =	vld.idx.msk [tilespmem:v12+s19+$0x0], $0xffff;
	[tilespmem:s17+$0x50] =	vst v21  }
0xd5: {  	v21 =	vmul.f32 v27, v22;
	v27 =	vshll.u32 v25, $0x10;
	v25 =	vand.u32 $0xFFFF0000, v25;
	v30 =	vld.idx.msk [tilespmem:v30+s19+$0x0], $0xffff;
	[tilespmem:s21+$0xFFFFFC60] =	vst v4  }
0xd6: {  	v4 =	vmul.f32 v9, v11;
	v11 =	vshll.u32 v23, $0x10;
	v23 =	vand.u32 $0xFFFF0000, v23;
	v9 =	vld [tilespmem:s26+$0xFFFFFFD0];
	[tilespmem:s21+$0x60] =	vst v3;
	s21 =	smov.u32 s14  }
0xd7: {  	v3 =	vmul.f32 v7, v22;
	v22 =	vshll.u32 v19, $0x10;
	v32 =	vand.u32 $0xFFFF0000, v19;
	v7 =	vld [tilespmem:s26+$0xFFFFFFE0];
	[tilespmem:s20+$0xFFFFFC60] =	vst v2  }
0xd8: {  	v33 =	vshll.u32 v14, $0x10;
	v34 =	vand.u32 $0xFFFF0000, v14;
	v2 =	vld [tilespmem:s26+$0xFFFFFFF0];
	[tilespmem:s20+$0x60] =	vst v1;
	s20 =	smov.u32 s15  }
0xd9: {  	v35 =	vshll.u32 v17, $0x10;
	v36 =	vand.u32 $0xFFFF0000, v17;
	v1 =	vld [tilespmem:s26+$0x0];
	[tilespmem:s17+$0xFFFFFC60] =	vst v6  }
0xda: {  	v37 =	vshll.u32 v12, $0x10;
	v38 =	vand.u32 $0xFFFF0000, v12;
	v6 =	vld [tilespmem:s26+$0x10];
	[tilespmem:s17+$0x60] =	vst v5;
	s17 =	smov.u32 s16  }
0xdb: {  	v39 =	vshll.u32 v30, $0x10;
	v30 =	vand.u32 $0xFFFF0000, v30;
	v5 =	vshll.u32 v9, $0x10;
	v12 =	vld [tilespmem:s26+$0x20];
	[tilespmem:s16+$0xFFFFFC70] =	vst v8  }
0xdc: {  	v9 =	vand.u32 $0xFFFF0000, v9;
	v8 =	vld [tilespmem:s26+$0x3C0];
	[tilespmem:s14+$0xFFFFFC00] =	vst v18;
	v14 =	vshll.u32 v7, $0x10;
	v7 =	vand.u32 $0xFFFF0000, v7  }
0xdd: {  	v13 =	vmul.f32 v13, v5;
	[tilespmem:s14+$0x0] =	vst v21;
	v18 =	vld [tilespmem:s26+$0x3D0];
	v40 =	vshll.u32 v2, $0x10;
	v2 =	vand.u32 $0xFFFF0000, v2  }
0xde: {  	[tilespmem:s15+$0xFFFFFC00] =	vst v4;
	v4 =	vmul.f32 v26, v9;
	v26 =	vld [tilespmem:s26+$0x3E0];
	v41 =	vshll.u32 v1, $0x10;
	v1 =	vand.u32 $0xFFFF0000, v1  }
0xdf: {  	[tilespmem:s15+$0x0] =	vst v3;
	v3 =	vmul.f32 v15, v5;
	v42 =	vld [tilespmem:s26+$0x3F0];
	v43 =	vshll.u32 v6, $0x10;
	v44 =	vand.u32 $0xFFFF0000, v6  }
0xe0: {  	v9 =	vmul.f32 v28, v9;
	[tilespmem:s14+$0xFFFFFC10] =	vst v13;
	v28 =	vld [tilespmem:s26+$0x400];
	v45 =	vshll.u32 v12, $0x10;
	v46 =	vand.u32 $0xFFFF0000, v12  }
0xe1: {  	v5 =	vand.u32 $0xFFFF, v8;
	[tilespmem:s14+$0x10] =	vst v4;
	v4 =	vmul.f32 v29, v14;
	v29 =	vmul.f32 v31, v7;
	v21 =	vld [tilespmem:s26+$0x410]  }
0xe2: {  	v6 =	vmul.f32 v20, v7;
	v8 =	vshrl.u32 v8, $0x10;
	v31 =	vmul.f32 v16, v14;
	[tilespmem:s16+$0xFFFFFC00] =	vst v5;
	v5 =	vld [tilespmem:s26+$0x420]  }
0xe3: {  	v19 =	vmul.f32 v24, v40;
	v17 =	vmul.f32 v27, v2;
	v7 =	vand.u32 $0xFFFF, v18;
	[tilespmem:s16+$0x0] =	vst v8  }
0xe4: {  	v15 =	vmul.f32 v25, v2;
	[tilespmem:s15+$0xFFFFFC10] =	vst v3;
	v3 =	vshrl.u32 v18, $0x10;
	v18 =	vmul.f32 v10, v40  }
0xe5: {  	v12 =	vmul.f32 v22, v1;
	v14 =	vmul.f32 v11, v41;
	v24 =	vand.u32 $0xFFFF, v26;
	[tilespmem:s15+$0x10] =	vst v9  }
.Ltmp3:
0xe6: {  	v13 =	vmul.f32 v23, v41;
	v11 =	vmul.f32 v32, v1;
	v25 =	vshrl.u32 v26, $0x10;
	[tilespmem:s16+$0xFFFFFC10] =	vst v7;
	(pc) =	sbr.rel @p0 .LBB2_5-.Ltmp3, $4  }
0xe7: {  	v8 =	vmul.f32 v35, v44;
	v22 =	vand.u32 $0xFFFF, v42;
	v10 =	vmul.f32 v33, v43;
	[tilespmem:s16+$0x10] =	vst v3  }
0xe8: {  	v23 =	vshrl.u32 v42, $0x10;
	v9 =	vmul.f32 v34, v43;
	v7 =	vmul.f32 v36, v44;
	[tilespmem:s14+$0xFFFFFC20] =	vst v4  }
0xe9: {  	v16 =	vand.u32 $0xFFFF, v28;
	v3 =	vmul.f32 v39, v46;
	v4 =	vmul.f32 v37, v45;
	[tilespmem:s14+$0x20] =	vst v29  }
0xea: {  	v2 =	vmul.f32 v38, v45;
	v1 =	vmul.f32 v30, v46;
	s26 =	sadd.s32 $0x80, s26;
	v20 =	vshrl.u32 v28, $0x10;
	[tilespmem:s15+$0xFFFFFC20] =	vst v31  }
0xeb: {  	[tilespmem:s15+$0x20] =	vst v6  }
0xec: {  	[tilespmem:s14+$0xFFFFFC30] =	vst v19  }
0xed: {  	[tilespmem:s14+$0x30] =	vst v17  }
0xee: {  	[tilespmem:s14+$0xFFFFFC40] =	vst v14  }
0xef: {  	[tilespmem:s14+$0x40] =	vst v12  }
0xf0: {  	[tilespmem:s14+$0xFFFFFC50] =	vst v10  }
0xf1: {  	[tilespmem:s14+$0x50] =	vst v8  }
0xf2: {  	[tilespmem:s21+$0xFFFFFC60] =	vst v4  }
0xf3: {  	[tilespmem:s21+$0x60] =	vst v3  }
0xf4: {  	[tilespmem:s16+$0xFFFFFC20] =	vst v24  }
0xf5: {  	[tilespmem:s16+$0x20] =	vst v25  }
0xf6: {  	[tilespmem:s15+$0xFFFFFC30] =	vst v18  }
0xf7: {  	[tilespmem:s15+$0x30] =	vst v15  }
0xf8: {  	[tilespmem:s15+$0xFFFFFC40] =	vst v13  }
0xf9: {  	[tilespmem:s15+$0x40] =	vst v11  }
0xfa: {  	[tilespmem:s15+$0xFFFFFC50] =	vst v9  }
0xfb: {  	[tilespmem:s15+$0x50] =	vst v7  }
0xfc: {  	[tilespmem:s20+$0xFFFFFC60] =	vst v2  }
0xfd: {  	[tilespmem:s20+$0x60] =	vst v1  }
0xfe: {  	[tilespmem:s16+$0xFFFFFC30] =	vst v22  }
0xff: {  	[tilespmem:s16+$0x30] =	vst v23  }
0x100: {  	[tilespmem:s16+$0xFFFFFC40] =	vst v16  }
0x101: {  	v6 =	vand.u32 $0xFFFF, v21;
	s14 =	sshll.u32 s13, $0x1;
	p0 =	seq.s32 s13, $0x7F;
	[tilespmem:s16+$0x40] =	vst v20  }
0x102: {  	v7 =	vshrl.u32 v21, $0x10;
	s15 =	sadd.s32 @!p0 s14, s0;
	[tilespmem:s17+$0xFFFFFC50] =	vst v6  }
0x103: {  	v2 =	vand.u32 $0xFFFF, v5;
	[tilespmem:s17+$0x50] =	vst v7;
	s15 =	sshll.u32 @!p0 s15, $0x7  }
0x104: {  	v1 =	vshrl.u32 v5, $0x10;
	[tilespmem:s17+$0xFFFFFC60] =	vst v2;
	s15 =	sand.u32 @!p0 $0x1FFFFF00, s15  }
0x105: {  	s20 =	simm.s32 @!p0 $0x10000;
	[tilespmem:s17+$0x60] =	vst v1;
	s17 =	simm.s32 @!p0 $0x0;
	s16 =	sadd.s32 @!p0 s22, s15  }
0x106: {  	[tilespmem:s20], [sflag:$0x2] =	stream.linear.gather @!p0 [hbm4b:s16+s17], $0x400, $0x38;
	[tilespmem:$0x1D000] =	vst v63  }
0x107: {  	s16 =	sadd.s32 @!p0 s23, s15;
	s20 =	simm.s32 @!p0 $0x10400  }
0x108: {  	[tilespmem:s20], [sflag:$0x2] =	stream.linear.gather @!p0 [hbm4b:s16+s17], $0x400, $0x38;
	[tilespmem:$0x1D000] =	vst v63  }
0x109: {  	s15 =	sadd.s32 @!p0 s24, s15;
	s16 =	simm.s32 @!p0 $0x10800  }
0x10a: {  	[tilespmem:s16], [sflag:$0x2] =	stream.linear.gather @!p0 [hbm4b:s15+s17], $0x400, $0x38;
	[tilespmem:$0x1D000] =	vst v63  }
0x10b: {  	_ =	swait.ge [sflag:s11], $0xC00  }
0x10c: {  	[sflag:s11] =	ssyncset.done $0x0  }
0x10d: {  	s25 =	simm.s32 $0x12840;
	[sflag:s11] =	ssyncadd.s32 $0xFFFFF400  }
0x10e: {  	v1 =	vld [tilespmem:s25+$0xFFFFFC30]  }
0x10f: {  	v2 =	vld [tilespmem:s25+$0xFFFFFBD0]  }
0x110: {  	v3 =	vld [tilespmem:s25+$0xFFFFFBE0]  }
0x111: {  	v4 =	vld [tilespmem:s25+$0xFFFFFBF0]  }
0x112: {  	v5 =	vld [tilespmem:s25+$0xFFFFFC00]  }
0x113: {  	v6 =	vld [tilespmem:s25+$0xFFFFFC10]  }
0x114: {  	v8 =	vld [tilespmem:s25+$0xFFFFFC20]  }
0x115: {  	v10 =	vld [tilespmem:s25+$0xFFFFFBC0]  }
0x116: {  	v11 =	vld [tilespmem:s25+$0xFFFFFFC0];
	v7 =	vand.u32 $0xFFFF, v1  }
0x117: {  	v13 =	vld [tilespmem:s25+$0x30];
	v1 =	vshrl.u32 v1, $0x10  }
0x118: {  	v19 =	vld [tilespmem:s25+$0x430];
	v9 =	vand.u32 $0xFFFF, v2  }
0x119: {  	v30 =	vld [tilespmem:s25+$0xFFFFFFD0];
	v12 =	vand.u32 $0xFFFF, v3;
	v3 =	vshrl.u32 v3, $0x10  }
0x11a: {  	v31 =	vld [tilespmem:s25+$0xFFFFFFE0];
	v14 =	vand.u32 $0xFFFF, v4  }
0x11b: {  	v15 =	vand.u32 $0xFFFF, v10;
	v7 =	vld.idx.msk [tilespmem:v7+s19+$0x0], $0xffff  }
0x11c: {  	v10 =	vshrl.u32 v10, $0x10;
	v1 =	vld.idx.msk [tilespmem:v1+s19+$0x0], $0xffff  }
0x11d: {  	v4 =	vshrl.u32 v4, $0x10;
	v9 =	vld.idx.msk [tilespmem:v9+s19+$0x0], $0xffff  }
0x11e: {  	v2 =	vshrl.u32 v2, $0x10;
	v16 =	vand.u32 $0xFFFF, v5;
	v17 =	vand.u32 $0xFFFF, v6;
	v3 =	vld.idx.msk [tilespmem:v3+s19+$0x0], $0xffff  }
0x11f: {  	v5 =	vshrl.u32 v5, $0x10;
	v6 =	vshrl.u32 v6, $0x10;
	v18 =	vand.u32 $0xFFFF, v8;
	v14 =	vld.idx.msk [tilespmem:v14+s19+$0x0], $0xffff  }
0x120: {  	v8 =	vshrl.u32 v8, $0x10;
	v20 =	vshll.u32 v11, $0x10;
	v11 =	vand.u32 $0xFFFF0000, v11;
	v15 =	vld.idx.msk [tilespmem:v15+s19+$0x0], $0xffff  }
0x121: {  	v21 =	vshll.u32 v13, $0x10;
	v13 =	vand.u32 $0xFFFF0000, v13;
	v27 =	vshrl.u32 v19, $0x10;
	v10 =	vld.idx.msk [tilespmem:v10+s19+$0x0], $0xffff  }
0x122: {  	v19 =	vand.u32 $0xFFFF, v19;
	v61 =	vshll.u32 v31, $0x10;
	v62 =	vand.u32 $0xFFFF0000, v31;
	v4 =	vld.idx.msk [tilespmem:v4+s19+$0x0], $0xffff  }
0x123: {  	v17 =	vld.idx.msk [tilespmem:v17+s19+$0x0], $0xffff;
	v22 =	vshll.u32 v7, $0x10;
	v23 =	vshll.u32 v1, $0x10;
	v24 =	vshll.u32 v9, $0x10  }
0x124: {  	v6 =	vld.idx.msk [tilespmem:v6+s19+$0x0], $0xffff;
	v7 =	vand.u32 $0xFFFF0000, v7;
	v9 =	vand.u32 $0xFFFF0000, v9;
	v1 =	vand.u32 $0xFFFF0000, v1  }
0x125: {  	v18 =	vld.idx.msk [tilespmem:v18+s19+$0x0], $0xffff;
	v25 =	vshll.u32 v3, $0x10;
	v3 =	vand.u32 $0xFFFF0000, v3;
	v26 =	vshll.u32 v14, $0x10  }
0x126: {  	v8 =	vld.idx.msk [tilespmem:v8+s19+$0x0], $0xffff;
	v14 =	vand.u32 $0xFFFF0000, v14;
	v28 =	vshll.u32 v15, $0x10;
	v15 =	vand.u32 $0xFFFF0000, v15  }
0x127: {  	v2 =	vld.idx.msk [tilespmem:v2+s19+$0x0], $0xffff;
	v29 =	vshll.u32 v10, $0x10;
	v10 =	vand.u32 $0xFFFF0000, v10;
	v22 =	vmul.f32 v22, v21  }
0x128: {  	s15 =	simm.s32 $0x13C00;
	v12 =	vld.idx.msk [tilespmem:v12+s19+$0x0], $0xffff;
	v60 =	vshll.u32 v4, $0x10;
	v4 =	vand.u32 $0xFFFF0000, v4;
	v23 =	vmul.f32 v23, v13  }
0x129: {  	v16 =	vld.idx.msk [tilespmem:v16+s19+$0x0], $0xffff;
	v32 =	vand.u32 $0xFFFF0000, v17;
	v33 =	vshll.u32 v6, $0x10;
	v28 =	vmul.f32 v28, v20;
	[tilespmem:s15+$0xFFFFFC70] =	vst v22  }
0x12a: {  	v39 =	vld [tilespmem:s25+$0x3E0];
	v34 =	vshll.u32 v18, $0x10;
	v35 =	vand.u32 $0xFFFF0000, v18;
	v7 =	vmul.f32 v7, v21;
	[tilespmem:s15+$0x70] =	vst v23  }
0x12b: {  	s16 =	simm.s32 $0x14400;
	v36 =	vshll.u32 v8, $0x10;
	v37 =	vand.u32 $0xFFFF0000, v8;
	v8 =	vld [tilespmem:s25+$0x3C0];
	v1 =	vmul.f32 v1, v13;
	[tilespmem:s15+$0xFFFFFC00] =	vst v28  }
0x12c: {  	v5 =	vld.idx.msk [tilespmem:v5+s19+$0x0], $0xffff;
	v18 =	vshll.u32 v30, $0x10;
	v21 =	vshll.u32 v2, $0x10;
	v2 =	vand.u32 $0xFFFF0000, v2;
	[tilespmem:s16+$0xFFFFFC70] =	vst v7  }
0x12d: {  	s17 =	simm.s32 $0x13400;
	v44 =	vld [tilespmem:s25+$0x3F0];
	v13 =	vshll.u32 v12, $0x10;
	v12 =	vand.u32 $0xFFFF0000, v12;
	v15 =	vmul.f32 v15, v20;
	[tilespmem:s16+$0x70] =	vst v1  }
0x12e: {  	v20 =	vshll.u32 v16, $0x10;
	v16 =	vand.u32 $0xFFFF0000, v16;
	v22 =	vmul.f32 v29, v11;
	v23 =	vld [tilespmem:s25+$0xFFFFFFF0];
	[tilespmem:s17+$0x70] =	vst v27  }
0x12f: {  	v43 =	vmul.f32 v25, v62;
	v25 =	vshrl.u32 v39, $0x10;
	v7 =	vmul.f32 v10, v11;
	v11 =	vld [tilespmem:s25+$0x0];
	[tilespmem:s17+$0xFFFFFC70] =	vst v19  }
0x130: {  	v42 =	vmul.f32 v13, v61;
	v28 =	vmul.f32 v12, v61;
	v1 =	vshll.u32 v17, $0x10;
	v17 =	vld [tilespmem:s25+$0x10];
	[tilespmem:s15+$0x0] =	vst v22  }
0x131: {  	v63 =	vld [tilespmem:s25+$0x3D0];
	v10 =	vshll.u32 v5, $0x10;
	v19 =	vand.u32 $0xFFFF0000, v30;
	v22 =	vmul.f32 v24, v18;
	[tilespmem:s16+$0xFFFFFC00] =	vst v15  }
0x132: {  	v5 =	vand.u32 $0xFFFF0000, v5;
	v27 =	vand.u32 $0xFFFF0000, v6;
	v15 =	vmul.f32 v21, v19;
	[tilespmem:s16+$0x0] =	vst v7  }
0x133: {  	v6 =	vld [tilespmem:s25+$0x20];
	v7 =	vmul.f32 v9, v18;
	v2 =	vmul.f32 v2, v19;
	[tilespmem:s15+$0xFFFFFC10] =	vst v22;
	v22 =	vand.u32 $0xFFFF, v44  }
0x134: {  	v24 =	vshll.u32 v23, $0x10;
	v23 =	vand.u32 $0xFFFF0000, v23;
	v21 =	vshll.u32 v11, $0x10  }
0x135: {  	[tilespmem:s15+$0x10] =	vst v15;
	v11 =	vand.u32 $0xFFFF0000, v11;
	v9 =	vshll.u32 v17, $0x10;
	v38 =	vand.u32 $0xFFFF0000, v17  }
0x136: {  	v19 =	vmul.f32 v26, v24;
	v17 =	vmul.f32 v60, v23;
	[tilespmem:s16+$0xFFFFFC10] =	vst v7;
	v7 =	vshrl.u32 v63, $0x10  }
0x137: {  	[tilespmem:s15+$0x20] =	vst v43;
	v18 =	vmul.f32 v14, v24;
	v15 =	vmul.f32 v4, v23;
	v24 =	vand.u32 $0xFFFF, v39  }
0x138: {  	[tilespmem:s15+$0xFFFFFC20] =	vst v42;
	v26 =	vld [tilespmem:s25+$0x400];
	v40 =	vshll.u32 v6, $0x10;
	v14 =	vmul.f32 v20, v21;
	v12 =	vmul.f32 v10, v11  }
0x139: {  	[tilespmem:s16+$0x10] =	vst v2;
	v41 =	vand.u32 $0xFFFF0000, v6;
	v13 =	vmul.f32 v16, v21;
	v11 =	vmul.f32 v5, v11;
	v21 =	vld [tilespmem:s25+$0x410]  }
0x13a: {  	v6 =	vand.u32 $0xFFFF, v8;
	[tilespmem:s17+$0x10] =	vst v7;
	v10 =	vmul.f32 v1, v9;
	v9 =	vmul.f32 v32, v9;
	v5 =	vld [tilespmem:s25+$0x420]  }
0x13b: {  	v8 =	vshrl.u32 v8, $0x10;
	v7 =	vmul.f32 v27, v38;
	[tilespmem:s17+$0xFFFFFC00] =	vst v6;
	v6 =	vmul.f32 v3, v62  }
0x13c: {  	v23 =	vshrl.u32 v44, $0x10;
	[tilespmem:s17+$0x0] =	vst v8;
	v8 =	vmul.f32 v33, v38;
	v4 =	vmul.f32 v34, v40  }
0x13d: {  	s26 =	simm.s32 $0x0;
	s28 =	simm.s32 $0x128C0;
	[tilespmem:s16+$0xFFFFFC20] =	vst v28;
	v3 =	vand.u32 $0xFFFF, v63;
	v2 =	vmul.f32 v36, v41;
	v1 =	vmul.f32 v37, v41  }
0x13e: {  	s21 =	simm.s32 $0x14400;
	s20 =	simm.s32 $0x13400;
	s25 =	simm.s32 $0x13C00;
	[tilespmem:s17+$0xFFFFFC10] =	vst v3;
	v3 =	vmul.f32 v35, v40;
	v16 =	vand.u32 $0xFFFF, v26;
	v20 =	vshrl.u32 v26, $0x10  }
.LBB2_7:
0x13f: {  	v26 =	vld [tilespmem:s28+$0xFFFFFC30];
	[tilespmem:s16+$0x20] =	vst v6;
	v27 =	vand.u32 $0xFFFF, v21;
	v21 =	vshrl.u32 v21, $0x10;
	v6 =	vand.u32 $0xFFFF, v5  }
0x140: {  	v5 =	vshrl.u32 v5, $0x10;
	v28 =	vld [tilespmem:s28+$0xFFFFFBD0];
	[tilespmem:s17+$0xFFFFFC20] =	vst v24  }
0x141: {  	v24 =	vld [tilespmem:s28+$0xFFFFFBE0];
	[tilespmem:s17+$0x20] =	vst v25  }
0x142: {  	v25 =	vld [tilespmem:s28+$0xFFFFFBF0];
	[tilespmem:s15+$0xFFFFFC30] =	vst v19  }
0x143: {  	s26 =	sadd.s32 $0x80, s26;
	v19 =	vld [tilespmem:s28+$0xFFFFFC00];
	[tilespmem:s15+$0x30] =	vst v17  }
0x144: {  	p1 =	slt.u32 s26, $0x380;
	v17 =	vld [tilespmem:s28+$0xFFFFFC10];
	v29 =	vand.u32 $0xFFFF, v26;
	[tilespmem:s16+$0xFFFFFC30] =	vst v18  }
0x145: {  	v26 =	vshrl.u32 v26, $0x10;
	v18 =	vand.u32 $0xFFFF, v28;
	v28 =	vshrl.u32 v28, $0x10;
	v30 =	vld [tilespmem:s28+$0xFFFFFC20];
	[tilespmem:s16+$0x30] =	vst v15  }
0x146: {  	v15 =	vld [tilespmem:s28+$0xFFFFFBC0];
	v31 =	vand.u32 $0xFFFF, v24;
	v24 =	vshrl.u32 v24, $0x10;
	[tilespmem:s17+$0xFFFFFC30] =	vst v22  }
0x147: {  	v22 =	vld [tilespmem:s28+$0xFFFFFFC0];
	v32 =	vand.u32 $0xFFFF, v25;
	v25 =	vshrl.u32 v25, $0x10;
	[tilespmem:s17+$0x30] =	vst v23  }
0x148: {  	v23 =	vand.u32 $0xFFFF, v19;
	v19 =	vshrl.u32 v19, $0x10;
	v33 =	vld [tilespmem:s28+$0x30];
	[tilespmem:s15+$0xFFFFFC40] =	vst v14  }
0x149: {  	v14 =	vand.u32 $0xFFFF, v17;
	v17 =	vshrl.u32 v17, $0x10;
	v29 =	vld.idx.msk [tilespmem:v29+s19+$0x0], $0xffff;
	[tilespmem:s15+$0x40] =	vst v12  }
0x14a: {  	v12 =	vand.u32 $0xFFFF, v30;
	v30 =	vshrl.u32 v30, $0x10;
	v26 =	vld.idx.msk [tilespmem:v26+s19+$0x0], $0xffff;
	[tilespmem:s16+$0xFFFFFC40] =	vst v13  }
0x14b: {  	v13 =	vand.u32 $0xFFFF, v15;
	v15 =	vshrl.u32 v15, $0x10;
	v18 =	vld.idx.msk [tilespmem:v18+s19+$0x0], $0xffff;
	[tilespmem:s16+$0x40] =	vst v11  }
0x14c: {  	v11 =	vshll.u32 v22, $0x10;
	v22 =	vand.u32 $0xFFFF0000, v22;
	v28 =	vld.idx.msk [tilespmem:v28+s19+$0x0], $0xffff;
	[tilespmem:s17+$0xFFFFFC40] =	vst v16  }
0x14d: {  	v16 =	vld.idx.msk [tilespmem:v31+s19+$0x0], $0xffff;
	[tilespmem:s17+$0x40] =	vst v20  }
0x14e: {  	v20 =	vld.idx.msk [tilespmem:v24+s19+$0x0], $0xffff;
	[tilespmem:s15+$0xFFFFFC50] =	vst v10  }
0x14f: {  	v24 =	vshll.u32 v33, $0x10;
	v31 =	vshll.u32 v29, $0x10;
	v10 =	vld.idx.msk [tilespmem:v32+s19+$0x0], $0xffff;
	[tilespmem:s15+$0x50] =	vst v8  }
0x150: {  	v32 =	vand.u32 $0xFFFF0000, v33;
	v33 =	vshll.u32 v26, $0x10;
	v31 =	vmul.f32 v31, v24;
	v8 =	vld [tilespmem:s28+$0x430];
	[tilespmem:s16+$0xFFFFFC50] =	vst v9  }
0x151: {  	v29 =	vand.u32 $0xFFFF0000, v29;
	s15 =	sadd.s32 $0x80, s15;
	v33 =	vmul.f32 v33, v32;
	v9 =	vld.idx.msk [tilespmem:v13+s19+$0x0], $0xffff;
	v13 =	vshll.u32 v18, $0x10;
	[tilespmem:s16+$0x50] =	vst v7  }
0x152: {  	v24 =	vmul.f32 v29, v24;
	v7 =	vld.idx.msk [tilespmem:v15+s19+$0x0], $0xffff;
	v15 =	vand.u32 $0xFFFF0000, v18;
	v18 =	vand.u32 $0xFFFF0000, v26;
	[tilespmem:s15+$0xFFFFFC70] =	vst v31  }
0x153: {  	s16 =	sadd.s32 $0x80, s16;
	v26 =	vshll.u32 v28, $0x10;
	v28 =	vand.u32 $0xFFFF0000, v28;
	v25 =	vld.idx.msk [tilespmem:v25+s19+$0x0], $0xffff;
	[tilespmem:s15+$0x70] =	vst v33;
	v18 =	vmul.f32 v18, v32  }
0x154: {  	v29 =	vshll.u32 v16, $0x10;
	v16 =	vand.u32 $0xFFFF0000, v16;
	v31 =	vshll.u32 v20, $0x10;
	v23 =	vld.idx.msk [tilespmem:v23+s19+$0x0], $0xffff;
	[tilespmem:s16+$0xFFFFFC70] =	vst v24  }
0x155: {  	s17 =	sadd.s32 $0x80, s17;
	v20 =	vand.u32 $0xFFFF0000, v20;
	v24 =	vshll.u32 v10, $0x10;
	v19 =	vld.idx.msk [tilespmem:v19+s19+$0x0], $0xffff;
	[tilespmem:s16+$0x70] =	vst v18;
	v18 =	vshrl.u32 v8, $0x10  }
0x156: {  	v10 =	vand.u32 $0xFFFF0000, v10;
	v8 =	vand.u32 $0xFFFF, v8;
	v14 =	vld.idx.msk [tilespmem:v14+s19+$0x0], $0xffff;
	[tilespmem:s17+$0x70] =	vst v18  }
0x157: {  	v18 =	vshll.u32 v9, $0x10;
	v9 =	vand.u32 $0xFFFF0000, v9;
	v17 =	vld.idx.msk [tilespmem:v17+s19+$0x0], $0xffff;
	[tilespmem:s20+$0xFFFFFC50] =	vst v27  }
0x158: {  	v27 =	vshll.u32 v7, $0x10;
	v7 =	vand.u32 $0xFFFF0000, v7;
	v18 =	vmul.f32 v18, v11;
	v12 =	vld.idx.msk [tilespmem:v12+s19+$0x0], $0xffff;
	[tilespmem:s20+$0x50] =	vst v21  }
0x159: {  	v21 =	vmul.f32 v27, v22;
	v27 =	vshll.u32 v25, $0x10;
	v25 =	vand.u32 $0xFFFF0000, v25;
	v30 =	vld.idx.msk [tilespmem:v30+s19+$0x0], $0xffff;
	[tilespmem:s25+$0xFFFFFC60] =	vst v4  }
0x15a: {  	v4 =	vmul.f32 v9, v11;
	v11 =	vshll.u32 v23, $0x10;
	v23 =	vand.u32 $0xFFFF0000, v23;
	v9 =	vld [tilespmem:s28+$0xFFFFFFD0];
	[tilespmem:s25+$0x60] =	vst v2;
	s25 =	smov.u32 s15  }
0x15b: {  	v2 =	vmul.f32 v7, v22;
	v22 =	vshll.u32 v19, $0x10;
	v32 =	vand.u32 $0xFFFF0000, v19;
	v7 =	vld [tilespmem:s28+$0xFFFFFFE0];
	[tilespmem:s21+$0xFFFFFC60] =	vst v3  }
0x15c: {  	v33 =	vshll.u32 v14, $0x10;
	v34 =	vand.u32 $0xFFFF0000, v14;
	v3 =	vld [tilespmem:s28+$0xFFFFFFF0];
	[tilespmem:s21+$0x60] =	vst v1;
	s21 =	smov.u32 s16  }
0x15d: {  	v35 =	vshll.u32 v17, $0x10;
	v36 =	vand.u32 $0xFFFF0000, v17;
	v1 =	vld [tilespmem:s28+$0x0];
	[tilespmem:s20+$0xFFFFFC60] =	vst v6  }
0x15e: {  	v37 =	vshll.u32 v12, $0x10;
	v38 =	vand.u32 $0xFFFF0000, v12;
	v6 =	vld [tilespmem:s28+$0x10];
	[tilespmem:s20+$0x60] =	vst v5;
	s20 =	smov.u32 s17  }
0x15f: {  	v39 =	vshll.u32 v30, $0x10;
	v30 =	vand.u32 $0xFFFF0000, v30;
	v5 =	vshll.u32 v9, $0x10;
	v12 =	vld [tilespmem:s28+$0x20];
	[tilespmem:s17+$0xFFFFFC70] =	vst v8  }
0x160: {  	v9 =	vand.u32 $0xFFFF0000, v9;
	v8 =	vld [tilespmem:s28+$0x3C0];
	[tilespmem:s15+$0xFFFFFC00] =	vst v18;
	v14 =	vshll.u32 v7, $0x10;
	v7 =	vand.u32 $0xFFFF0000, v7  }
0x161: {  	v13 =	vmul.f32 v13, v5;
	[tilespmem:s15+$0x0] =	vst v21;
	v18 =	vld [tilespmem:s28+$0x3D0];
	v40 =	vshll.u32 v3, $0x10;
	v3 =	vand.u32 $0xFFFF0000, v3  }
0x162: {  	[tilespmem:s16+$0xFFFFFC00] =	vst v4;
	v4 =	vmul.f32 v26, v9;
	v26 =	vld [tilespmem:s28+$0x3E0];
	v41 =	vshll.u32 v1, $0x10;
	v1 =	vand.u32 $0xFFFF0000, v1  }
0x163: {  	[tilespmem:s16+$0x0] =	vst v2;
	v2 =	vmul.f32 v15, v5;
	v42 =	vld [tilespmem:s28+$0x3F0];
	v43 =	vshll.u32 v6, $0x10;
	v44 =	vand.u32 $0xFFFF0000, v6  }
0x164: {  	v9 =	vmul.f32 v28, v9;
	[tilespmem:s15+$0xFFFFFC10] =	vst v13;
	v28 =	vld [tilespmem:s28+$0x400];
	v45 =	vshll.u32 v12, $0x10;
	v46 =	vand.u32 $0xFFFF0000, v12  }
0x165: {  	v5 =	vand.u32 $0xFFFF, v8;
	[tilespmem:s15+$0x10] =	vst v4;
	v4 =	vmul.f32 v29, v14;
	v29 =	vmul.f32 v31, v7;
	v21 =	vld [tilespmem:s28+$0x410]  }
0x166: {  	v6 =	vmul.f32 v20, v7;
	v8 =	vshrl.u32 v8, $0x10;
	v31 =	vmul.f32 v16, v14;
	[tilespmem:s17+$0xFFFFFC00] =	vst v5;
	v5 =	vld [tilespmem:s28+$0x420]  }
0x167: {  	v19 =	vmul.f32 v24, v40;
	v17 =	vmul.f32 v27, v3;
	v7 =	vand.u32 $0xFFFF, v18;
	[tilespmem:s17+$0x0] =	vst v8  }
0x168: {  	v15 =	vmul.f32 v25, v3;
	[tilespmem:s16+$0xFFFFFC10] =	vst v2;
	v2 =	vshrl.u32 v18, $0x10;
	v18 =	vmul.f32 v10, v40  }
0x169: {  	v12 =	vmul.f32 v22, v1;
	v14 =	vmul.f32 v11, v41;
	v24 =	vand.u32 $0xFFFF, v26;
	[tilespmem:s16+$0x10] =	vst v9  }
.Ltmp4:
0x16a: {  	v13 =	vmul.f32 v23, v41;
	v11 =	vmul.f32 v32, v1;
	v25 =	vshrl.u32 v26, $0x10;
	[tilespmem:s17+$0xFFFFFC10] =	vst v7;
	(pc) =	sbr.rel @p1 .LBB2_7-.Ltmp4, $4  }
0x16b: {  	v8 =	vmul.f32 v35, v44;
	v22 =	vand.u32 $0xFFFF, v42;
	v10 =	vmul.f32 v33, v43;
	[tilespmem:s17+$0x10] =	vst v2  }
0x16c: {  	v23 =	vshrl.u32 v42, $0x10;
	v9 =	vmul.f32 v34, v43;
	v7 =	vmul.f32 v36, v44;
	[tilespmem:s15+$0xFFFFFC20] =	vst v4  }
0x16d: {  	v16 =	vand.u32 $0xFFFF, v28;
	v2 =	vmul.f32 v39, v46;
	v4 =	vmul.f32 v37, v45;
	[tilespmem:s15+$0x20] =	vst v29  }
0x16e: {  	v3 =	vmul.f32 v38, v45;
	v1 =	vmul.f32 v30, v46;
	s28 =	sadd.s32 $0x80, s28;
	v20 =	vshrl.u32 v28, $0x10;
	[tilespmem:s16+$0xFFFFFC20] =	vst v31  }
0x16f: {  	[tilespmem:s16+$0x20] =	vst v6  }
0x170: {  	[tilespmem:s15+$0xFFFFFC30] =	vst v19  }
0x171: {  	[tilespmem:s15+$0x30] =	vst v17  }
0x172: {  	[tilespmem:s15+$0xFFFFFC40] =	vst v14  }
0x173: {  	[tilespmem:s15+$0x40] =	vst v12  }
0x174: {  	[tilespmem:s15+$0xFFFFFC50] =	vst v10  }
0x175: {  	[tilespmem:s15+$0x50] =	vst v8  }
0x176: {  	[tilespmem:s25+$0xFFFFFC60] =	vst v4  }
0x177: {  	[tilespmem:s25+$0x60] =	vst v2  }
0x178: {  	[tilespmem:s17+$0xFFFFFC20] =	vst v24  }
0x179: {  	[tilespmem:s17+$0x20] =	vst v25  }
0x17a: {  	[tilespmem:s16+$0xFFFFFC30] =	vst v18  }
0x17b: {  	[tilespmem:s16+$0x30] =	vst v15  }
0x17c: {  	[tilespmem:s16+$0xFFFFFC40] =	vst v13  }
0x17d: {  	[tilespmem:s16+$0x40] =	vst v11  }
0x17e: {  	[tilespmem:s16+$0xFFFFFC50] =	vst v9  }
0x17f: {  	[tilespmem:s16+$0x50] =	vst v7  }
0x180: {  	[tilespmem:s21+$0xFFFFFC60] =	vst v3  }
0x181: {  	[tilespmem:s21+$0x60] =	vst v1  }
0x182: {  	[tilespmem:s17+$0xFFFFFC30] =	vst v22  }
0x183: {  	[tilespmem:s17+$0x30] =	vst v23  }
0x184: {  	[tilespmem:s17+$0xFFFFFC40] =	vst v16  }
.Ltmp5:
0x185: {  	v62 =	vand.u32 $0xFFFF, v21;
	[tilespmem:s17+$0x40] =	vst v20;
	(pc) =	sbr.rel @p0 .LBB2_10-.Ltmp5, $4  }
0x186: {  	v63 =	vshrl.u32 v21, $0x10;
	[tilespmem:s20+$0xFFFFFC50] =	vst v62  }
0x187: {  	v2 =	vand.u32 $0xFFFF, v5;
	[tilespmem:s20+$0x50] =	vst v63  }
0x188: {  	v1 =	vshrl.u32 v5, $0x10;
	[tilespmem:s20+$0xFFFFFC60] =	vst v2  }
0x189: {  	[tilespmem:s20+$0x60] =	vst v1  }
0x18a: {  	s14 =	sadd.s32 s14, s1  }
0x18b: {  	s14 =	sshll.u32 s14, $0x7  }
0x18c: {  	s14 =	sand.u32 $0x1FFFFF80, s14  }
0x18d: {  	s15 =	sadd.s32 s22, s14  }
0x18e: {  	[tilespmem:s6], [sflag:$0x3] =	stream.linear.gather [hbm4b:s15+s19], $0x400, $0x38;
	[tilespmem:$0x1D000] =	vst v63  }
.Ltmp6:
0x18f: {  	_ = 	snop;
	(pc) =	sbr.rel .LBB2_4-.Ltmp6, $4  }
0x190: {  	s28 =	sadd.s32 s23, s14  }
0x191: {  	[tilespmem:s7], [sflag:$0x3] =	stream.linear.gather [hbm4b:s28+s19], $0x400, $0x38;
	[tilespmem:$0x1D000] =	vst v63  }
0x192: {  	s13 =	sadd.s32 $0x1, s13;
	s14 =	sadd.s32 s24, s14  }
0x193: {  	[tilespmem:s8], [sflag:$0x3] =	stream.linear.gather [hbm4b:s14+s19], $0x400, $0x38;
	[tilespmem:$0x1D000] =	vst v63  }
.LBB2_11:
0x194: {  	_ =	sfence.sel $0x180000  }
0x195: {  	[bflag:$0x0] =	sbarrier.arrive $0xFFFF  }
0x196: {  	_ =	strace $0x90000047  }
0x197: {  	s0 =	stileid.u32;
	[bflag:$0x2] =	sbarrier.arrive $0xFFFF  }
0x198: {  	p0 =	sne.s32 s0, $0x0;
	s0 =	rddreg [dreg:$0x3]  }
0x199: {  	s0 =	sadd.s32 @!p0 $0x100000, s0  }
0x19a: {  	[sflag:s0] =	ssyncadd.tile.s32 @!p0 $0x1;
	_ =	shalt  }
.Lfunc_end2:
_tile_overlayer_lowered:
.L_overlay_start_2:
0x19b: {  	(tag) =	ssettag $0x2  }
0x19c: {  	s0 =	rddreg [dreg:$0x0];
	s2 =	stileid.u32  }
0x19d: {  	s1 =	rddreg [dreg:$0x1];
	p0 =	sne.s32 s2, $0x0  }
0x19e: {  	s3 =	rddreg [dreg:$0x2];
	[bflag:$0x3] =	sbarrier.arrive $0xFFFF;
	s2 =	simm.s32 @!p0 $0x1C04  }
0x19f: {  	[timem:s3], [sflag:s2] =	dma.local @!p0 [hbm:s0], s1  }
0x1a0: {  	s0 =	simm.s32 @!p0 $0x4  }
0x1a1: {  	_ =	swait.ge @!p0 [sflag:s0], s1  }
0x1a2: {  	s1 =	ssub.s32 @!p0 $0x0, s1;
	[sflag:s0] =	ssyncset.done @!p0 $0x0  }
0x1a3: {  	[sflag:s0] =	ssyncadd.s32 @!p0 s1  }
0x1a4: {  	[bflag:$0x3] =	sbarrier.arrive $0xFFFF  }
0x1a5: {  	_ =	shalt  }

</sc_bundles>
